<compile_context>
chip_gen: v7x
topology: tpu7x:2x2x1
jax: 0.10.2.dev20260603
libtpu: 0.0.44.dev20260713+nightly
codegen_flags: <defaults>
</compile_context>

<pallas_src>
import functools

import jax
import jax.numpy as jnp
from jax import lax
from jax.experimental import pallas as pl
from jax.experimental.pallas import tpu as pltpu
from jax.experimental.pallas import tpu_sc as plsc

_LAMBDA_C = 0.01
_EPS = 1e-12
_TR_W = 16384
_HALF = 1 << 19


def _tr_body(ct1_ref, ct2_ref, out_ref):
    out_ref[...] = jnp.concatenate([ct1_ref[...].T, ct2_ref[...].T], axis=1)


def _build_table(centers_t):
    feat_dim, num_classes = centers_t.shape
    steps = _HALF // _TR_W
    last_block = num_classes // _TR_W
    return pl.pallas_call(
        _tr_body,
        grid=(steps,),
        in_specs=[
            pl.BlockSpec((feat_dim, _TR_W), lambda i: (0, i)),
            pl.BlockSpec(
                (feat_dim, _TR_W),
                lambda i: (0, jnp.minimum(steps + i, last_block)),
            ),
        ],
        out_specs=pl.BlockSpec((_TR_W, 2 * feat_dim), lambda i: (i, 0)),
        out_shape=jax.ShapeDtypeStruct((_HALF, 2 * feat_dim), jnp.float32),
        compiler_params=pltpu.CompilerParams(vmem_limit_bytes=100 * 1024 * 1024),
    )(centers_t, centers_t)


def _gather_rows(table, labels):
    _, width = table.shape
    batch = labels.shape[0]
    info = plsc.get_sparse_core_info()
    num_workers = info.num_cores * info.num_subcores
    rows_per_worker = batch // num_workers
    num_groups = rows_per_worker // 16
    mesh = plsc.VectorSubcoreMesh(core_axis_name="c", subcore_axis_name="s")

    @functools.partial(
        pl.kernel,
        mesh=mesh,
        out_type=jax.ShapeDtypeStruct((batch, width), jnp.float32),
        scratch_types=[
            pltpu.VMEM((rows_per_worker,), jnp.int32),
            pltpu.VMEM((rows_per_worker, width), jnp.float32),
            pltpu.SemaphoreType.DMA,
        ],
        compiler_params=pltpu.CompilerParams(use_tc_tiling_on_sc=True),
    )
    def gather_kernel(table_hbm, labels_hbm, out_hbm, idx_v, rows_v, sem):
        wid = lax.axis_index("s") * info.num_cores + lax.axis_index("c")
        base = wid * rows_per_worker
        pltpu.sync_copy(labels_hbm.at[pl.ds(base, rows_per_worker)], idx_v)

        def fire(g):
            vec = idx_v[pl.ds(g * 16, 16)] & (_HALF - 1)
            for j in range(16):
                pltpu.async_copy(
                    table_hbm.at[pl.ds(vec[j], 1)],
                    rows_v.at[pl.ds(g * 16 + j, 1)],
                    sem,
                )

        def drain(g):
            for j in range(16):
                pltpu.make_async_copy(
                    table_hbm.at[pl.ds(0, 1)],
                    rows_v.at[pl.ds(g * 16 + j, 1)],
                    sem,
                ).wait()

        fire(0)

        def group(g, carry):
            fire(g)
            drain(g - 1)
            return carry

        lax.fori_loop(1, num_groups, group, 0)
        drain(num_groups - 1)
        pltpu.sync_copy(rows_v, out_hbm.at[pl.ds(base, rows_per_worker)])

    return gather_kernel(table, labels)


def _loss_body(ft_ref, g_ref, h_ref, o_ref, acc_ref):
    i = pl.program_id(0)
    f = ft_ref[...]
    gt = g_ref[...].T
    h = h_ref[0]
    even = gt[:64, :]
    odd = gt[64:, :]
    gsel = even + h * (odd - even)
    ng = jnp.sqrt(jnp.sum(gsel * gsel, axis=0, keepdims=True))
    gn = gsel / jnp.maximum(ng, _EPS)
    nf = jnp.sqrt(jnp.sum(f * f, axis=0, keepdims=True))
    fn = f / jnp.maximum(nf, _EPS)
    d = fn - gn
    part = jnp.sum(d * d)

    @pl.when(i == 0)
    def _():
        acc_ref[0, 0] = 0.0

    acc_ref[0, 0] += part

    @pl.when(i == pl.num_programs(0) - 1)
    def _():
        o_ref[0, 0] = acc_ref[0, 0]


def kernel(features, labels, centers):
    feat_dim = centers.shape[1]
    batch = labels.shape[0]
    labels = labels.astype(jnp.int32)
    table = _build_table(centers.T)
    rows = _gather_rows(table, labels)
    ft = features.T

    cols = 2048
    steps = batch // cols
    h2 = (labels >= _HALF).astype(jnp.float32).reshape(steps, 1, cols)
    loss = pl.pallas_call(
        _loss_body,
        grid=(steps,),
        in_specs=[
            pl.BlockSpec((feat_dim, cols), lambda i: (0, i)),
            pl.BlockSpec((cols, 2 * feat_dim), lambda i: (i, 0)),
            pl.BlockSpec((1, 1, cols), lambda i: (i, 0, 0)),
        ],
        out_specs=pl.BlockSpec(memory_space=pltpu.SMEM),
        out_shape=jax.ShapeDtypeStruct((1, 1), jnp.float32),
        scratch_shapes=[pltpu.SMEM((1, 1), jnp.float32)],
    )(ft, rows, h2)
    return _LAMBDA_C * loss[0, 0] / batch

# --- scband reference (transcript-rebuilt; emitter-appended) ---
"""Pipeline reference for scband-center-loss-77515569758603 (READ-ONLY COPY).

The authoritative reference and input builder live on the scoring server;
editing this copy changes nothing except your own understanding.
"""

import jax, jax.numpy as jnp
import numpy as np

NUM_CLASSES = 1000000
FEAT_DIM = 64
LAMBDA_C = 0.01


def _l2_normalize(x, axis=-1, eps=1e-12):
    # matches torch F.normalize: x / max(||x||_2, eps)
    norm = jnp.sqrt(jnp.sum(x * x, axis=axis, keepdims=True))
    return x / jnp.maximum(norm, eps)


def setup_inputs(seed: int = 0) -> dict:
    key = jax.random.key(seed)
    k1, k2, k3 = jax.random.split(key, 3)
    features = jax.random.normal(k1, (16384, FEAT_DIM), dtype=jnp.float32)
    labels = jax.random.randint(k2, (16384,), 0, NUM_CLASSES, dtype=jnp.int64 if jax.config.read('jax_enable_x64') else jnp.int32)
    # xavier_uniform init for centers (num_classes, feat_dim)
    limit = float(np.sqrt(6.0 / (NUM_CLASSES + FEAT_DIM)))
    centers = jax.random.uniform(k3, (NUM_CLASSES, FEAT_DIM), dtype=jnp.float32, minval=-limit, maxval=limit)
    return {"features": features, "labels": labels, "centers": centers}


def reference(features, labels, centers):
    f = _l2_normalize(features, axis=1)
    c = _l2_normalize(centers, axis=1)
    batch_size = f.shape[0]
    centers_batch = jnp.take(c, labels, axis=0)
    diff = f - centers_batch
    loss = jnp.sum(diff * diff) / batch_size
    return LAMBDA_C * loss

if __name__ == "__main__":
    import jax
    _d = setup_inputs()
    print(jax.jit(kernel)(*tuple(_d.values())))

</pallas_src>

<mosaic_0001>
#map = affine_map<(d0, d1) -> (0, 0)>
#map1 = affine_map<(d0, d1) -> (0)>
module attributes {stable_mosaic.version = 14 : i64} {
  func.func @gather_kernel(%arg0: i32, %arg1: i32, %arg2: memref<524288x128xf32, #tpu.memory_space<hbm>>, %arg3: memref<16384xi32, #tpu.memory_space<hbm>>, %arg4: memref<16384x128xf32, #tpu.memory_space<hbm>>, %arg5: memref<512xi32, #tpu.memory_space<vmem>>, %arg6: memref<512x128xf32, #tpu.memory_space<vmem>>, %arg7: memref<!tpu.dma_semaphore, #tpu.memory_space<semaphore_mem>>) attributes {dimension_semantics = [#tpu.dimension_semantics<core_parallel>, #tpu.dimension_semantics<subcore_parallel>], iteration_bounds = array<i64: 2, 16>, scalar_prefetch = 0 : i64, scratch_operands = 3 : i64, tpu.core_type = #tpu.core_type<sc_vector_subcore>, window_params = [{transform_indices = #map}, {transform_indices = #map1}, {transform_indices = #map}]} {
    %mul3A = arith.constant 2 : i32
    %mul3A_0 = arith.muli %arg1, %mul3A : i32
    %add3A = arith.addi %mul3A_0, %arg0 : i32
    %mul3A_1 = arith.constant 512 : i32
    %mul3A_2 = arith.muli %add3A, %mul3A_1 : i32
    "tpu.region"() ({
      %run_scoped3A = tpu.sem_alloc : memref<!tpu.dma_semaphore, #tpu.memory_space<semaphore_mem>>
      %dma_start3A_392 = tpu.memref_slice %arg3[%mul3A_2] : memref<16384xi32, #tpu.memory_space<hbm>> -> memref<512xi32, #tpu.memory_space<hbm>>
      %dma_start3A_393 = tpu.memref_slice %arg3[%mul3A_2] : memref<16384xi32, #tpu.memory_space<hbm>> -> memref<512xi32, #tpu.memory_space<hbm>>
      tpu.enqueue_dma source(%dma_start3A_393 : memref<512xi32, #tpu.memory_space<hbm>>) target(%arg5 : memref<512xi32, #tpu.memory_space<vmem>>) target_semaphore(%run_scoped3A : memref<!tpu.dma_semaphore, #tpu.memory_space<semaphore_mem>>)
      %dma_wait3A_394 = tpu.memref_slice %arg3[%mul3A_2] : memref<16384xi32, #tpu.memory_space<hbm>> -> memref<512xi32, #tpu.memory_space<hbm>>
      %dma_wait3A_395 = tpu.memref_slice %arg3[%mul3A_2] : memref<16384xi32, #tpu.memory_space<hbm>> -> memref<512xi32, #tpu.memory_space<hbm>>
      tpu.wait_dma2 semaphore(%run_scoped3A : memref<!tpu.dma_semaphore, #tpu.memory_space<semaphore_mem>>) src(%dma_wait3A_395 : memref<512xi32, #tpu.memory_space<hbm>>) dst(%arg5 : memref<512xi32, #tpu.memory_space<vmem>>)
      tpu.yield
    }) : () -> ()
    %get3A = arith.constant 0 : index
    %get3A_3 = tpu.vector_load %arg5[%get3A] {strides = array<i32>} : memref<512xi32, #tpu.memory_space<vmem>>, vector<16xi32>,
    %get3A_4 = vector.shape_cast %get3A_3 : vector<16xi32> to vector<16xi32>
    %and3A = arith.constant 524287 : i32
    %and3A_5 = vector.broadcast %and3A : i32 to vector<16xi32>
    %and3A_6 = arith.andi %get3A_4, %and3A_5 : vector<16xi32>
    %slice3A = vector.extract_strided_slice %and3A_6 {offsets = [0], sizes = [1], strides = [1]} : vector<16xi32> to vector<1xi32>
    %squeeze3A = vector.extract %slice3A[0] : i32 from vector<1xi32>
    %dma_start3A = arith.constant 0 : i32
    %dma_start3A_7 = arith.constant 0 : i32
    %dma_start3A_8 = tpu.memref_slice %arg6[%dma_start3A, %dma_start3A_7] : memref<512x128xf32, #tpu.memory_space<vmem>> -> memref<1x128xf32, #tpu.memory_space<vmem>>
    %dma_start3A_9 = arith.constant 0 : i32
    %dma_start3A_10 = tpu.memref_slice %arg2[%squeeze3A, %dma_start3A_9] : memref<524288x128xf32, #tpu.memory_space<hbm>> -> memref<1x128xf32, #tpu.memory_space<hbm>>
    %dma_start3A_11 = arith.constant 0 : i32
    %dma_start3A_12 = arith.constant 0 : i32
    %dma_start3A_13 = tpu.memref_slice %arg6[%dma_start3A_11, %dma_start3A_12] : memref<512x128xf32, #tpu.memory_space<vmem>> -> memref<1x128xf32, #tpu.memory_space<vmem>>
    %dma_start3A_14 = arith.constant 0 : i32
    %dma_start3A_15 = tpu.memref_slice %arg2[%squeeze3A, %dma_start3A_14] : memref<524288x128xf32, #tpu.memory_space<hbm>> -> memref<1x128xf32, #tpu.memory_space<hbm>>
    tpu.enqueue_dma source(%dma_start3A_15 : memref<1x128xf32, #tpu.memory_space<hbm>>) target(%dma_start3A_13 : memref<1x128xf32, #tpu.memory_space<vmem>>) target_semaphore(%arg7 : memref<!tpu.dma_semaphore, #tpu.memory_space<semaphore_mem>>)
    %slice3A_16 = vector.extract_strided_slice %and3A_6 {offsets = [1], sizes = [1], strides = [1]} : vector<16xi32> to vector<1xi32>
    %squeeze3A_17 = vector.extract %slice3A_16[0] : i32 from vector<1xi32>
    %dma_start3A_18 = arith.constant 1 : i32
    %dma_start3A_19 = arith.constant 0 : i32
    %dma_start3A_20 = tpu.memref_slice %arg6[%dma_start3A_18, %dma_start3A_19] : memref<512x128xf32, #tpu.memory_space<vmem>> -> memref<1x128xf32, #tpu.memory_space<vmem>>
    %dma_start3A_21 = arith.constant 0 : i32
    %dma_start3A_22 = tpu.memref_slice %arg2[%squeeze3A_17, %dma_start3A_21] : memref<524288x128xf32, #tpu.memory_space<hbm>> -> memref<1x128xf32, #tpu.memory_space<hbm>>
    %dma_start3A_23 = arith.constant 1 : i32
    %dma_start3A_24 = arith.constant 0 : i32
    %dma_start3A_25 = tpu.memref_slice %arg6[%dma_start3A_23, %dma_start3A_24] : memref<512x128xf32, #tpu.memory_space<vmem>> -> memref<1x128xf32, #tpu.memory_space<vmem>>
    %dma_start3A_26 = arith.constant 0 : i32
    %dma_start3A_27 = tpu.memref_slice %arg2[%squeeze3A_17, %dma_start3A_26] : memref<524288x128xf32, #tpu.memory_space<hbm>> -> memref<1x128xf32, #tpu.memory_space<hbm>>
    tpu.enqueue_dma source(%dma_start3A_27 : memref<1x128xf32, #tpu.memory_space<hbm>>) target(%dma_start3A_25 : memref<1x128xf32, #tpu.memory_space<vmem>>) target_semaphore(%arg7 : memref<!tpu.dma_semaphore, #tpu.memory_space<semaphore_mem>>)
    %slice3A_28 = vector.extract_strided_slice %and3A_6 {offsets = [2], sizes = [1], strides = [1]} : vector<16xi32> to vector<1xi32>
    %squeeze3A_29 = vector.extract %slice3A_28[0] : i32 from vector<1xi32>
    %dma_start3A_30 = arith.constant 2 : i32
    %dma_start3A_31 = arith.constant 0 : i32
    %dma_start3A_32 = tpu.memref_slice %arg6[%dma_start3A_30, %dma_start3A_31] : memref<512x128xf32, #tpu.memory_space<vmem>> -> memref<1x128xf32, #tpu.memory_space<vmem>>
    %dma_start3A_33 = arith.constant 0 : i32
    %dma_start3A_34 = tpu.memref_slice %arg2[%squeeze3A_29, %dma_start3A_33] : memref<524288x128xf32, #tpu.memory_space<hbm>> -> memref<1x128xf32, #tpu.memory_space<hbm>>
    %dma_start3A_35 = arith.constant 2 : i32
    %dma_start3A_36 = arith.constant 0 : i32
    %dma_start3A_37 = tpu.memref_slice %arg6[%dma_start3A_35, %dma_start3A_36] : memref<512x128xf32, #tpu.memory_space<vmem>> -> memref<1x128xf32, #tpu.memory_space<vmem>>
    %dma_start3A_38 = arith.constant 0 : i32
    %dma_start3A_39 = tpu.memref_slice %arg2[%squeeze3A_29, %dma_start3A_38] : memref<524288x128xf32, #tpu.memory_space<hbm>> -> memref<1x128xf32, #tpu.memory_space<hbm>>
    tpu.enqueue_dma source(%dma_start3A_39 : memref<1x128xf32, #tpu.memory_space<hbm>>) target(%dma_start3A_37 : memref<1x128xf32, #tpu.memory_space<vmem>>) target_semaphore(%arg7 : memref<!tpu.dma_semaphore, #tpu.memory_space<semaphore_mem>>)
    %slice3A_40 = vector.extract_strided_slice %and3A_6 {offsets = [3], sizes = [1], strides = [1]} : vector<16xi32> to vector<1xi32>
    %squeeze3A_41 = vector.extract %slice3A_40[0] : i32 from vector<1xi32>
    %dma_start3A_42 = arith.constant 3 : i32
    %dma_start3A_43 = arith.constant 0 : i32
    %dma_start3A_44 = tpu.memref_slice %arg6[%dma_start3A_42, %dma_start3A_43] : memref<512x128xf32, #tpu.memory_space<vmem>> -> memref<1x128xf32, #tpu.memory_space<vmem>>
    %dma_start3A_45 = arith.constant 0 : i32
    %dma_start3A_46 = tpu.memref_slice %arg2[%squeeze3A_41, %dma_start3A_45] : memref<524288x128xf32, #tpu.memory_space<hbm>> -> memref<1x128xf32, #tpu.memory_space<hbm>>
    %dma_start3A_47 = arith.constant 3 : i32
    %dma_start3A_48 = arith.constant 0 : i32
    %dma_start3A_49 = tpu.memref_slice %arg6[%dma_start3A_47, %dma_start3A_48] : memref<512x128xf32, #tpu.memory_space<vmem>> -> memref<1x128xf32, #tpu.memory_space<vmem>>
    %dma_start3A_50 = arith.constant 0 : i32
    %dma_start3A_51 = tpu.memref_slice %arg2[%squeeze3A_41, %dma_start3A_50] : memref<524288x128xf32, #tpu.memory_space<hbm>> -> memref<1x128xf32, #tpu.memory_space<hbm>>
    tpu.enqueue_dma source(%dma_start3A_51 : memref<1x128xf32, #tpu.memory_space<hbm>>) target(%dma_start3A_49 : memref<1x128xf32, #tpu.memory_space<vmem>>) target_semaphore(%arg7 : memref<!tpu.dma_semaphore, #tpu.memory_space<semaphore_mem>>)
    %slice3A_52 = vector.extract_strided_slice %and3A_6 {offsets = [4], sizes = [1], strides = [1]} : vector<16xi32> to vector<1xi32>
    %squeeze3A_53 = vector.extract %slice3A_52[0] : i32 from vector<1xi32>
    %dma_start3A_54 = arith.constant 4 : i32
    %dma_start3A_55 = arith.constant 0 : i32
    %dma_start3A_56 = tpu.memref_slice %arg6[%dma_start3A_54, %dma_start3A_55] : memref<512x128xf32, #tpu.memory_space<vmem>> -> memref<1x128xf32, #tpu.memory_space<vmem>>
    %dma_start3A_57 = arith.constant 0 : i32
    %dma_start3A_58 = tpu.memref_slice %arg2[%squeeze3A_53, %dma_start3A_57] : memref<524288x128xf32, #tpu.memory_space<hbm>> -> memref<1x128xf32, #tpu.memory_space<hbm>>
    %dma_start3A_59 = arith.constant 4 : i32
    %dma_start3A_60 = arith.constant 0 : i32
    %dma_start3A_61 = tpu.memref_slice %arg6[%dma_start3A_59, %dma_start3A_60] : memref<512x128xf32, #tpu.memory_space<vmem>> -> memref<1x128xf32, #tpu.memory_space<vmem>>
    %dma_start3A_62 = arith.constant 0 : i32
    %dma_start3A_63 = tpu.memref_slice %arg2[%squeeze3A_53, %dma_start3A_62] : memref<524288x128xf32, #tpu.memory_space<hbm>> -> memref<1x128xf32, #tpu.memory_space<hbm>>
    tpu.enqueue_dma source(%dma_start3A_63 : memref<1x128xf32, #tpu.memory_space<hbm>>) target(%dma_start3A_61 : memref<1x128xf32, #tpu.memory_space<vmem>>) target_semaphore(%arg7 : memref<!tpu.dma_semaphore, #tpu.memory_space<semaphore_mem>>)
    %slice3A_64 = vector.extract_strided_slice %and3A_6 {offsets = [5], sizes = [1], strides = [1]} : vector<16xi32> to vector<1xi32>
    %squeeze3A_65 = vector.extract %slice3A_64[0] : i32 from vector<1xi32>
    %dma_start3A_66 = arith.constant 5 : i32
    %dma_start3A_67 = arith.constant 0 : i32
    %dma_start3A_68 = tpu.memref_slice %arg6[%dma_start3A_66, %dma_start3A_67] : memref<512x128xf32, #tpu.memory_space<vmem>> -> memref<1x128xf32, #tpu.memory_space<vmem>>
    %dma_start3A_69 = arith.constant 0 : i32
    %dma_start3A_70 = tpu.memref_slice %arg2[%squeeze3A_65, %dma_start3A_69] : memref<524288x128xf32, #tpu.memory_space<hbm>> -> memref<1x128xf32, #tpu.memory_space<hbm>>
    %dma_start3A_71 = arith.constant 5 : i32
    %dma_start3A_72 = arith.constant 0 : i32
    %dma_start3A_73 = tpu.memref_slice %arg6[%dma_start3A_71, %dma_start3A_72] : memref<512x128xf32, #tpu.memory_space<vmem>> -> memref<1x128xf32, #tpu.memory_space<vmem>>
    %dma_start3A_74 = arith.constant 0 : i32
    %dma_start3A_75 = tpu.memref_slice %arg2[%squeeze3A_65, %dma_start3A_74] : memref<524288x128xf32, #tpu.memory_space<hbm>> -> memref<1x128xf32, #tpu.memory_space<hbm>>
    tpu.enqueue_dma source(%dma_start3A_75 : memref<1x128xf32, #tpu.memory_space<hbm>>) target(%dma_start3A_73 : memref<1x128xf32, #tpu.memory_space<vmem>>) target_semaphore(%arg7 : memref<!tpu.dma_semaphore, #tpu.memory_space<semaphore_mem>>)
    %slice3A_76 = vector.extract_strided_slice %and3A_6 {offsets = [6], sizes = [1], strides = [1]} : vector<16xi32> to vector<1xi32>
    %squeeze3A_77 = vector.extract %slice3A_76[0] : i32 from vector<1xi32>
    %dma_start3A_78 = arith.constant 6 : i32
    %dma_start3A_79 = arith.constant 0 : i32
    %dma_start3A_80 = tpu.memref_slice %arg6[%dma_start3A_78, %dma_start3A_79] : memref<512x128xf32, #tpu.memory_space<vmem>> -> memref<1x128xf32, #tpu.memory_space<vmem>>
    %dma_start3A_81 = arith.constant 0 : i32
    %dma_start3A_82 = tpu.memref_slice %arg2[%squeeze3A_77, %dma_start3A_81] : memref<524288x128xf32, #tpu.memory_space<hbm>> -> memref<1x128xf32, #tpu.memory_space<hbm>>
    %dma_start3A_83 = arith.constant 6 : i32
    %dma_start3A_84 = arith.constant 0 : i32
    %dma_start3A_85 = tpu.memref_slice %arg6[%dma_start3A_83, %dma_start3A_84] : memref<512x128xf32, #tpu.memory_space<vmem>> -> memref<1x128xf32, #tpu.memory_space<vmem>>
    %dma_start3A_86 = arith.constant 0 : i32
    %dma_start3A_87 = tpu.memref_slice %arg2[%squeeze3A_77, %dma_start3A_86] : memref<524288x128xf32, #tpu.memory_space<hbm>> -> memref<1x128xf32, #tpu.memory_space<hbm>>
    tpu.enqueue_dma source(%dma_start3A_87 : memref<1x128xf32, #tpu.memory_space<hbm>>) target(%dma_start3A_85 : memref<1x128xf32, #tpu.memory_space<vmem>>) target_semaphore(%arg7 : memref<!tpu.dma_semaphore, #tpu.memory_space<semaphore_mem>>)
    %slice3A_88 = vector.extract_strided_slice %and3A_6 {offsets = [7], sizes = [1], strides = [1]} : vector<16xi32> to vector<1xi32>
    %squeeze3A_89 = vector.extract %slice3A_88[0] : i32 from vector<1xi32>
    %dma_start3A_90 = arith.constant 7 : i32
    %dma_start3A_91 = arith.constant 0 : i32
    %dma_start3A_92 = tpu.memref_slice %arg6[%dma_start3A_90, %dma_start3A_91] : memref<512x128xf32, #tpu.memory_space<vmem>> -> memref<1x128xf32, #tpu.memory_space<vmem>>
    %dma_start3A_93 = arith.constant 0 : i32
    %dma_start3A_94 = tpu.memref_slice %arg2[%squeeze3A_89, %dma_start3A_93] : memref<524288x128xf32, #tpu.memory_space<hbm>> -> memref<1x128xf32, #tpu.memory_space<hbm>>
    %dma_start3A_95 = arith.constant 7 : i32
    %dma_start3A_96 = arith.constant 0 : i32
    %dma_start3A_97 = tpu.memref_slice %arg6[%dma_start3A_95, %dma_start3A_96] : memref<512x128xf32, #tpu.memory_space<vmem>> -> memref<1x128xf32, #tpu.memory_space<vmem>>
    %dma_start3A_98 = arith.constant 0 : i32
    %dma_start3A_99 = tpu.memref_slice %arg2[%squeeze3A_89, %dma_start3A_98] : memref<524288x128xf32, #tpu.memory_space<hbm>> -> memref<1x128xf32, #tpu.memory_space<hbm>>
    tpu.enqueue_dma source(%dma_start3A_99 : memref<1x128xf32, #tpu.memory_space<hbm>>) target(%dma_start3A_97 : memref<1x128xf32, #tpu.memory_space<vmem>>) target_semaphore(%arg7 : memref<!tpu.dma_semaphore, #tpu.memory_space<semaphore_mem>>)
    %slice3A_100 = vector.extract_strided_slice %and3A_6 {offsets = [8], sizes = [1], strides = [1]} : vector<16xi32> to vector<1xi32>
    %squeeze3A_101 = vector.extract %slice3A_100[0] : i32 from vector<1xi32>
    %dma_start3A_102 = arith.constant 8 : i32
    %dma_start3A_103 = arith.constant 0 : i32
    %dma_start3A_104 = tpu.memref_slice %arg6[%dma_start3A_102, %dma_start3A_103] : memref<512x128xf32, #tpu.memory_space<vmem>> -> memref<1x128xf32, #tpu.memory_space<vmem>>
    %dma_start3A_105 = arith.constant 0 : i32
    %dma_start3A_106 = tpu.memref_slice %arg2[%squeeze3A_101, %dma_start3A_105] : memref<524288x128xf32, #tpu.memory_space<hbm>> -> memref<1x128xf32, #tpu.memory_space<hbm>>
    %dma_start3A_107 = arith.constant 8 : i32
    %dma_start3A_108 = arith.constant 0 : i32
    %dma_start3A_109 = tpu.memref_slice %arg6[%dma_start3A_107, %dma_start3A_108] : memref<512x128xf32, #tpu.memory_space<vmem>> -> memref<1x128xf32, #tpu.memory_space<vmem>>
    %dma_start3A_110 = arith.constant 0 : i32
    %dma_start3A_111 = tpu.memref_slice %arg2[%squeeze3A_101, %dma_start3A_110] : memref<524288x128xf32, #tpu.memory_space<hbm>> -> memref<1x128xf32, #tpu.memory_space<hbm>>
    tpu.enqueue_dma source(%dma_start3A_111 : memref<1x128xf32, #tpu.memory_space<hbm>>) target(%dma_start3A_109 : memref<1x128xf32, #tpu.memory_space<vmem>>) target_semaphore(%arg7 : memref<!tpu.dma_semaphore, #tpu.memory_space<semaphore_mem>>)
    %slice3A_112 = vector.extract_strided_slice %and3A_6 {offsets = [9], sizes = [1], strides = [1]} : vector<16xi32> to vector<1xi32>
    %squeeze3A_113 = vector.extract %slice3A_112[0] : i32 from vector<1xi32>
    %dma_start3A_114 = arith.constant 9 : i32
    %dma_start3A_115 = arith.constant 0 : i32
    %dma_start3A_116 = tpu.memref_slice %arg6[%dma_start3A_114, %dma_start3A_115] : memref<512x128xf32, #tpu.memory_space<vmem>> -> memref<1x128xf32, #tpu.memory_space<vmem>>
    %dma_start3A_117 = arith.constant 0 : i32
    %dma_start3A_118 = tpu.memref_slice %arg2[%squeeze3A_113, %dma_start3A_117] : memref<524288x128xf32, #tpu.memory_space<hbm>> -> memref<1x128xf32, #tpu.memory_space<hbm>>
    %dma_start3A_119 = arith.constant 9 : i32
    %dma_start3A_120 = arith.constant 0 : i32
    %dma_start3A_121 = tpu.memref_slice %arg6[%dma_start3A_119, %dma_start3A_120] : memref<512x128xf32, #tpu.memory_space<vmem>> -> memref<1x128xf32, #tpu.memory_space<vmem>>
    %dma_start3A_122 = arith.constant 0 : i32
    %dma_start3A_123 = tpu.memref_slice %arg2[%squeeze3A_113, %dma_start3A_122] : memref<524288x128xf32, #tpu.memory_space<hbm>> -> memref<1x128xf32, #tpu.memory_space<hbm>>
    tpu.enqueue_dma source(%dma_start3A_123 : memref<1x128xf32, #tpu.memory_space<hbm>>) target(%dma_start3A_121 : memref<1x128xf32, #tpu.memory_space<vmem>>) target_semaphore(%arg7 : memref<!tpu.dma_semaphore, #tpu.memory_space<semaphore_mem>>)
    %slice3A_124 = vector.extract_strided_slice %and3A_6 {offsets = [10], sizes = [1], strides = [1]} : vector<16xi32> to vector<1xi32>
    %squeeze3A_125 = vector.extract %slice3A_124[0] : i32 from vector<1xi32>
    %dma_start3A_126 = arith.constant 10 : i32
    %dma_start3A_127 = arith.constant 0 : i32
    %dma_start3A_128 = tpu.memref_slice %arg6[%dma_start3A_126, %dma_start3A_127] : memref<512x128xf32, #tpu.memory_space<vmem>> -> memref<1x128xf32, #tpu.memory_space<vmem>>
    %dma_start3A_129 = arith.constant 0 : i32
    %dma_start3A_130 = tpu.memref_slice %arg2[%squeeze3A_125, %dma_start3A_129] : memref<524288x128xf32, #tpu.memory_space<hbm>> -> memref<1x128xf32, #tpu.memory_space<hbm>>
    %dma_start3A_131 = arith.constant 10 : i32
    %dma_start3A_132 = arith.constant 0 : i32
    %dma_start3A_133 = tpu.memref_slice %arg6[%dma_start3A_131, %dma_start3A_132] : memref<512x128xf32, #tpu.memory_space<vmem>> -> memref<1x128xf32, #tpu.memory_space<vmem>>
    %dma_start3A_134 = arith.constant 0 : i32
    %dma_start3A_135 = tpu.memref_slice %arg2[%squeeze3A_125, %dma_start3A_134] : memref<524288x128xf32, #tpu.memory_space<hbm>> -> memref<1x128xf32, #tpu.memory_space<hbm>>
    tpu.enqueue_dma source(%dma_start3A_135 : memref<1x128xf32, #tpu.memory_space<hbm>>) target(%dma_start3A_133 : memref<1x128xf32, #tpu.memory_space<vmem>>) target_semaphore(%arg7 : memref<!tpu.dma_semaphore, #tpu.memory_space<semaphore_mem>>)
    %slice3A_136 = vector.extract_strided_slice %and3A_6 {offsets = [11], sizes = [1], strides = [1]} : vector<16xi32> to vector<1xi32>
    %squeeze3A_137 = vector.extract %slice3A_136[0] : i32 from vector<1xi32>
    %dma_start3A_138 = arith.constant 11 : i32
    %dma_start3A_139 = arith.constant 0 : i32
    %dma_start3A_140 = tpu.memref_slice %arg6[%dma_start3A_138, %dma_start3A_139] : memref<512x128xf32, #tpu.memory_space<vmem>> -> memref<1x128xf32, #tpu.memory_space<vmem>>
    %dma_start3A_141 = arith.constant 0 : i32
    %dma_start3A_142 = tpu.memref_slice %arg2[%squeeze3A_137, %dma_start3A_141] : memref<524288x128xf32, #tpu.memory_space<hbm>> -> memref<1x128xf32, #tpu.memory_space<hbm>>
    %dma_start3A_143 = arith.constant 11 : i32
    %dma_start3A_144 = arith.constant 0 : i32
    %dma_start3A_145 = tpu.memref_slice %arg6[%dma_start3A_143, %dma_start3A_144] : memref<512x128xf32, #tpu.memory_space<vmem>> -> memref<1x128xf32, #tpu.memory_space<vmem>>
    %dma_start3A_146 = arith.constant 0 : i32
    %dma_start3A_147 = tpu.memref_slice %arg2[%squeeze3A_137, %dma_start3A_146] : memref<524288x128xf32, #tpu.memory_space<hbm>> -> memref<1x128xf32, #tpu.memory_space<hbm>>
    tpu.enqueue_dma source(%dma_start3A_147 : memref<1x128xf32, #tpu.memory_space<hbm>>) target(%dma_start3A_145 : memref<1x128xf32, #tpu.memory_space<vmem>>) target_semaphore(%arg7 : memref<!tpu.dma_semaphore, #tpu.memory_space<semaphore_mem>>)
    %slice3A_148 = vector.extract_strided_slice %and3A_6 {offsets = [12], sizes = [1], strides = [1]} : vector<16xi32> to vector<1xi32>
    %squeeze3A_149 = vector.extract %slice3A_148[0] : i32 from vector<1xi32>
    %dma_start3A_150 = arith.constant 12 : i32
    %dma_start3A_151 = arith.constant 0 : i32
    %dma_start3A_152 = tpu.memref_slice %arg6[%dma_start3A_150, %dma_start3A_151] : memref<512x128xf32, #tpu.memory_space<vmem>> -> memref<1x128xf32, #tpu.memory_space<vmem>>
    %dma_start3A_153 = arith.constant 0 : i32
    %dma_start3A_154 = tpu.memref_slice %arg2[%squeeze3A_149, %dma_start3A_153] : memref<524288x128xf32, #tpu.memory_space<hbm>> -> memref<1x128xf32, #tpu.memory_space<hbm>>
    %dma_start3A_155 = arith.constant 12 : i32
    %dma_start3A_156 = arith.constant 0 : i32
    %dma_start3A_157 = tpu.memref_slice %arg6[%dma_start3A_155, %dma_start3A_156] : memref<512x128xf32, #tpu.memory_space<vmem>> -> memref<1x128xf32, #tpu.memory_space<vmem>>
    %dma_start3A_158 = arith.constant 0 : i32
    %dma_start3A_159 = tpu.memref_slice %arg2[%squeeze3A_149, %dma_start3A_158] : memref<524288x128xf32, #tpu.memory_space<hbm>> -> memref<1x128xf32, #tpu.memory_space<hbm>>
    tpu.enqueue_dma source(%dma_start3A_159 : memref<1x128xf32, #tpu.memory_space<hbm>>) target(%dma_start3A_157 : memref<1x128xf32, #tpu.memory_space<vmem>>) target_semaphore(%arg7 : memref<!tpu.dma_semaphore, #tpu.memory_space<semaphore_mem>>)
    %slice3A_160 = vector.extract_strided_slice %and3A_6 {offsets = [13], sizes = [1], strides = [1]} : vector<16xi32> to vector<1xi32>
    %squeeze3A_161 = vector.extract %slice3A_160[0] : i32 from vector<1xi32>
    %dma_start3A_162 = arith.constant 13 : i32
    %dma_start3A_163 = arith.constant 0 : i32
    %dma_start3A_164 = tpu.memref_slice %arg6[%dma_start3A_162, %dma_start3A_163] : memref<512x128xf32, #tpu.memory_space<vmem>> -> memref<1x128xf32, #tpu.memory_space<vmem>>
    %dma_start3A_165 = arith.constant 0 : i32
    %dma_start3A_166 = tpu.memref_slice %arg2[%squeeze3A_161, %dma_start3A_165] : memref<524288x128xf32, #tpu.memory_space<hbm>> -> memref<1x128xf32, #tpu.memory_space<hbm>>
    %dma_start3A_167 = arith.constant 13 : i32
    %dma_start3A_168 = arith.constant 0 : i32
    %dma_start3A_169 = tpu.memref_slice %arg6[%dma_start3A_167, %dma_start3A_168] : memref<512x128xf32, #tpu.memory_space<vmem>> -> memref<1x128xf32, #tpu.memory_space<vmem>>
    %dma_start3A_170 = arith.constant 0 : i32
    %dma_start3A_171 = tpu.memref_slice %arg2[%squeeze3A_161, %dma_start3A_170] : memref<524288x128xf32, #tpu.memory_space<hbm>> -> memref<1x128xf32, #tpu.memory_space<hbm>>
    tpu.enqueue_dma source(%dma_start3A_171 : memref<1x128xf32, #tpu.memory_space<hbm>>) target(%dma_start3A_169 : memref<1x128xf32, #tpu.memory_space<vmem>>) target_semaphore(%arg7 : memref<!tpu.dma_semaphore, #tpu.memory_space<semaphore_mem>>)
    %slice3A_172 = vector.extract_strided_slice %and3A_6 {offsets = [14], sizes = [1], strides = [1]} : vector<16xi32> to vector<1xi32>
    %squeeze3A_173 = vector.extract %slice3A_172[0] : i32 from vector<1xi32>
    %dma_start3A_174 = arith.constant 14 : i32
    %dma_start3A_175 = arith.constant 0 : i32
    %dma_start3A_176 = tpu.memref_slice %arg6[%dma_start3A_174, %dma_start3A_175] : memref<512x128xf32, #tpu.memory_space<vmem>> -> memref<1x128xf32, #tpu.memory_space<vmem>>
    %dma_start3A_177 = arith.constant 0 : i32
    %dma_start3A_178 = tpu.memref_slice %arg2[%squeeze3A_173, %dma_start3A_177] : memref<524288x128xf32, #tpu.memory_space<hbm>> -> memref<1x128xf32, #tpu.memory_space<hbm>>
    %dma_start3A_179 = arith.constant 14 : i32
    %dma_start3A_180 = arith.constant 0 : i32
    %dma_start3A_181 = tpu.memref_slice %arg6[%dma_start3A_179, %dma_start3A_180] : memref<512x128xf32, #tpu.memory_space<vmem>> -> memref<1x128xf32, #tpu.memory_space<vmem>>
    %dma_start3A_182 = arith.constant 0 : i32
    %dma_start3A_183 = tpu.memref_slice %arg2[%squeeze3A_173, %dma_start3A_182] : memref<524288x128xf32, #tpu.memory_space<hbm>> -> memref<1x128xf32, #tpu.memory_space<hbm>>
    tpu.enqueue_dma source(%dma_start3A_183 : memref<1x128xf32, #tpu.memory_space<hbm>>) target(%dma_start3A_181 : memref<1x128xf32, #tpu.memory_space<vmem>>) target_semaphore(%arg7 : memref<!tpu.dma_semaphore, #tpu.memory_space<semaphore_mem>>)
    %slice3A_184 = vector.extract_strided_slice %and3A_6 {offsets = [15], sizes = [1], strides = [1]} : vector<16xi32> to vector<1xi32>
    %squeeze3A_185 = vector.extract %slice3A_184[0] : i32 from vector<1xi32>
    %dma_start3A_186 = arith.constant 15 : i32
    %dma_start3A_187 = arith.constant 0 : i32
    %dma_start3A_188 = tpu.memref_slice %arg6[%dma_start3A_186, %dma_start3A_187] : memref<512x128xf32, #tpu.memory_space<vmem>> -> memref<1x128xf32, #tpu.memory_space<vmem>>
    %dma_start3A_189 = arith.constant 0 : i32
    %dma_start3A_190 = tpu.memref_slice %arg2[%squeeze3A_185, %dma_start3A_189] : memref<524288x128xf32, #tpu.memory_space<hbm>> -> memref<1x128xf32, #tpu.memory_space<hbm>>
    %dma_start3A_191 = arith.constant 15 : i32
    %dma_start3A_192 = arith.constant 0 : i32
    %dma_start3A_193 = tpu.memref_slice %arg6[%dma_start3A_191, %dma_start3A_192] : memref<512x128xf32, #tpu.memory_space<vmem>> -> memref<1x128xf32, #tpu.memory_space<vmem>>
    %dma_start3A_194 = arith.constant 0 : i32
    %dma_start3A_195 = tpu.memref_slice %arg2[%squeeze3A_185, %dma_start3A_194] : memref<524288x128xf32, #tpu.memory_space<hbm>> -> memref<1x128xf32, #tpu.memory_space<hbm>>
    tpu.enqueue_dma source(%dma_start3A_195 : memref<1x128xf32, #tpu.memory_space<hbm>>) target(%dma_start3A_193 : memref<1x128xf32, #tpu.memory_space<vmem>>) target_semaphore(%arg7 : memref<!tpu.dma_semaphore, #tpu.memory_space<semaphore_mem>>)
    %scan3A = arith.constant 0 : i32
    %scan3A_196 = arith.constant 1 : i32
    %scan3A_197 = arith.constant 31 : i32
    %scan3A_198 = arith.addi %scan3A_196, %scan3A_197 : i32
    %scan3A_199 = arith.constant 1 : i32
    scf.for %scan3A_392 = %scan3A_196 to %scan3A_198 step %scan3A_199  : i32 {
      %mul3A_393 = arith.constant 16 : i32
      %mul3A_394 = arith.muli %scan3A_392, %mul3A_393 : i32
      %get3A_395 = arith.index_cast %mul3A_394 : i32 to index
      %get3A_396 = tpu.vector_load %arg5[%get3A_395] {strides = array<i32>} : memref<512xi32, #tpu.memory_space<vmem>>, vector<16xi32>,
      %get3A_397 = vector.shape_cast %get3A_396 : vector<16xi32> to vector<16xi32>
      %and3A_398 = arith.constant 524287 : i32
      %and3A_399 = vector.broadcast %and3A_398 : i32 to vector<16xi32>
      %and3A_400 = arith.andi %get3A_397, %and3A_399 : vector<16xi32>
      %slice3A_401 = vector.extract_strided_slice %and3A_400 {offsets = [0], sizes = [1], strides = [1]} : vector<16xi32> to vector<1xi32>
      %squeeze3A_402 = vector.extract %slice3A_401[0] : i32 from vector<1xi32>
      %mul3A_403 = arith.constant 16 : i32
      %mul3A_404 = arith.muli %scan3A_392, %mul3A_403 : i32
      %add3A_405 = arith.constant 0 : i32
      %add3A_406 = arith.addi %mul3A_404, %add3A_405 : i32
      %dma_start3A_407 = arith.constant 0 : i32
      %dma_start3A_408 = tpu.memref_slice %arg6[%add3A_406, %dma_start3A_407] : memref<512x128xf32, #tpu.memory_space<vmem>> -> memref<1x128xf32, #tpu.memory_space<vmem>>
      %dma_start3A_409 = arith.constant 0 : i32
      %dma_start3A_410 = tpu.memref_slice %arg2[%squeeze3A_402, %dma_start3A_409] : memref<524288x128xf32, #tpu.memory_space<hbm>> -> memref<1x128xf32, #tpu.memory_space<hbm>>
      %dma_start3A_411 = arith.constant 0 : i32
      %dma_start3A_412 = tpu.memref_slice %arg6[%add3A_406, %dma_start3A_411] : memref<512x128xf32, #tpu.memory_space<vmem>> -> memref<1x128xf32, #tpu.memory_space<vmem>>
      %dma_start3A_413 = arith.constant 0 : i32
      %dma_start3A_414 = tpu.memref_slice %arg2[%squeeze3A_402, %dma_start3A_413] : memref<524288x128xf32, #tpu.memory_space<hbm>> -> memref<1x128xf32, #tpu.memory_space<hbm>>
      tpu.enqueue_dma source(%dma_start3A_414 : memref<1x128xf32, #tpu.memory_space<hbm>>) target(%dma_start3A_412 : memref<1x128xf32, #tpu.memory_space<vmem>>) target_semaphore(%arg7 : memref<!tpu.dma_semaphore, #tpu.memory_space<semaphore_mem>>)
      %slice3A_415 = vector.extract_strided_slice %and3A_400 {offsets = [1], sizes = [1], strides = [1]} : vector<16xi32> to vector<1xi32>
      %squeeze3A_416 = vector.extract %slice3A_415[0] : i32 from vector<1xi32>
      %mul3A_417 = arith.constant 16 : i32
      %mul3A_418 = arith.muli %scan3A_392, %mul3A_417 : i32
      %add3A_419 = arith.constant 1 : i32
      %add3A_420 = arith.addi %mul3A_418, %add3A_419 : i32
      %dma_start3A_421 = arith.constant 0 : i32
      %dma_start3A_422 = tpu.memref_slice %arg6[%add3A_420, %dma_start3A_421] : memref<512x128xf32, #tpu.memory_space<vmem>> -> memref<1x128xf32, #tpu.memory_space<vmem>>
      %dma_start3A_423 = arith.constant 0 : i32
      %dma_start3A_424 = tpu.memref_slice %arg2[%squeeze3A_416, %dma_start3A_423] : memref<524288x128xf32, #tpu.memory_space<hbm>> -> memref<1x128xf32, #tpu.memory_space<hbm>>
      %dma_start3A_425 = arith.constant 0 : i32
      %dma_start3A_426 = tpu.memref_slice %arg6[%add3A_420, %dma_start3A_425] : memref<512x128xf32, #tpu.memory_space<vmem>> -> memref<1x128xf32, #tpu.memory_space<vmem>>
      %dma_start3A_427 = arith.constant 0 : i32
      %dma_start3A_428 = tpu.memref_slice %arg2[%squeeze3A_416, %dma_start3A_427] : memref<524288x128xf32, #tpu.memory_space<hbm>> -> memref<1x128xf32, #tpu.memory_space<hbm>>
      tpu.enqueue_dma source(%dma_start3A_428 : memref<1x128xf32, #tpu.memory_space<hbm>>) target(%dma_start3A_426 : memref<1x128xf32, #tpu.memory_space<vmem>>) target_semaphore(%arg7 : memref<!tpu.dma_semaphore, #tpu.memory_space<semaphore_mem>>)
      %slice3A_429 = vector.extract_strided_slice %and3A_400 {offsets = [2], sizes = [1], strides = [1]} : vector<16xi32> to vector<1xi32>
      %squeeze3A_430 = vector.extract %slice3A_429[0] : i32 from vector<1xi32>
      %mul3A_431 = arith.constant 16 : i32
      %mul3A_432 = arith.muli %scan3A_392, %mul3A_431 : i32
      %add3A_433 = arith.constant 2 : i32
      %add3A_434 = arith.addi %mul3A_432, %add3A_433 : i32
      %dma_start3A_435 = arith.constant 0 : i32
      %dma_start3A_436 = tpu.memref_slice %arg6[%add3A_434, %dma_start3A_435] : memref<512x128xf32, #tpu.memory_space<vmem>> -> memref<1x128xf32, #tpu.memory_space<vmem>>
      %dma_start3A_437 = arith.constant 0 : i32
      %dma_start3A_438 = tpu.memref_slice %arg2[%squeeze3A_430, %dma_start3A_437] : memref<524288x128xf32, #tpu.memory_space<hbm>> -> memref<1x128xf32, #tpu.memory_space<hbm>>
      %dma_start3A_439 = arith.constant 0 : i32
      %dma_start3A_440 = tpu.memref_slice %arg6[%add3A_434, %dma_start3A_439] : memref<512x128xf32, #tpu.memory_space<vmem>> -> memref<1x128xf32, #tpu.memory_space<vmem>>
      %dma_start3A_441 = arith.constant 0 : i32
      %dma_start3A_442 = tpu.memref_slice %arg2[%squeeze3A_430, %dma_start3A_441] : memref<524288x128xf32, #tpu.memory_space<hbm>> -> memref<1x128xf32, #tpu.memory_space<hbm>>
      tpu.enqueue_dma source(%dma_start3A_442 : memref<1x128xf32, #tpu.memory_space<hbm>>) target(%dma_start3A_440 : memref<1x128xf32, #tpu.memory_space<vmem>>) target_semaphore(%arg7 : memref<!tpu.dma_semaphore, #tpu.memory_space<semaphore_mem>>)
      %slice3A_443 = vector.extract_strided_slice %and3A_400 {offsets = [3], sizes = [1], strides = [1]} : vector<16xi32> to vector<1xi32>
      %squeeze3A_444 = vector.extract %slice3A_443[0] : i32 from vector<1xi32>
      %mul3A_445 = arith.constant 16 : i32
      %mul3A_446 = arith.muli %scan3A_392, %mul3A_445 : i32
      %add3A_447 = arith.constant 3 : i32
      %add3A_448 = arith.addi %mul3A_446, %add3A_447 : i32
      %dma_start3A_449 = arith.constant 0 : i32
      %dma_start3A_450 = tpu.memref_slice %arg6[%add3A_448, %dma_start3A_449] : memref<512x128xf32, #tpu.memory_space<vmem>> -> memref<1x128xf32, #tpu.memory_space<vmem>>
      %dma_start3A_451 = arith.constant 0 : i32
      %dma_start3A_452 = tpu.memref_slice %arg2[%squeeze3A_444, %dma_start3A_451] : memref<524288x128xf32, #tpu.memory_space<hbm>> -> memref<1x128xf32, #tpu.memory_space<hbm>>
      %dma_start3A_453 = arith.constant 0 : i32
      %dma_start3A_454 = tpu.memref_slice %arg6[%add3A_448, %dma_start3A_453] : memref<512x128xf32, #tpu.memory_space<vmem>> -> memref<1x128xf32, #tpu.memory_space<vmem>>
      %dma_start3A_455 = arith.constant 0 : i32
      %dma_start3A_456 = tpu.memref_slice %arg2[%squeeze3A_444, %dma_start3A_455] : memref<524288x128xf32, #tpu.memory_space<hbm>> -> memref<1x128xf32, #tpu.memory_space<hbm>>
      tpu.enqueue_dma source(%dma_start3A_456 : memref<1x128xf32, #tpu.memory_space<hbm>>) target(%dma_start3A_454 : memref<1x128xf32, #tpu.memory_space<vmem>>) target_semaphore(%arg7 : memref<!tpu.dma_semaphore, #tpu.memory_space<semaphore_mem>>)
      %slice3A_457 = vector.extract_strided_slice %and3A_400 {offsets = [4], sizes = [1], strides = [1]} : vector<16xi32> to vector<1xi32>
      %squeeze3A_458 = vector.extract %slice3A_457[0] : i32 from vector<1xi32>
      %mul3A_459 = arith.constant 16 : i32
      %mul3A_460 = arith.muli %scan3A_392, %mul3A_459 : i32
      %add3A_461 = arith.constant 4 : i32
      %add3A_462 = arith.addi %mul3A_460, %add3A_461 : i32
      %dma_start3A_463 = arith.constant 0 : i32
      %dma_start3A_464 = tpu.memref_slice %arg6[%add3A_462, %dma_start3A_463] : memref<512x128xf32, #tpu.memory_space<vmem>> -> memref<1x128xf32, #tpu.memory_space<vmem>>
      %dma_start3A_465 = arith.constant 0 : i32
      %dma_start3A_466 = tpu.memref_slice %arg2[%squeeze3A_458, %dma_start3A_465] : memref<524288x128xf32, #tpu.memory_space<hbm>> -> memref<1x128xf32, #tpu.memory_space<hbm>>
      %dma_start3A_467 = arith.constant 0 : i32
      %dma_start3A_468 = tpu.memref_slice %arg6[%add3A_462, %dma_start3A_467] : memref<512x128xf32, #tpu.memory_space<vmem>> -> memref<1x128xf32, #tpu.memory_space<vmem>>
      %dma_start3A_469 = arith.constant 0 : i32
      %dma_start3A_470 = tpu.memref_slice %arg2[%squeeze3A_458, %dma_start3A_469] : memref<524288x128xf32, #tpu.memory_space<hbm>> -> memref<1x128xf32, #tpu.memory_space<hbm>>
      tpu.enqueue_dma source(%dma_start3A_470 : memref<1x128xf32, #tpu.memory_space<hbm>>) target(%dma_start3A_468 : memref<1x128xf32, #tpu.memory_space<vmem>>) target_semaphore(%arg7 : memref<!tpu.dma_semaphore, #tpu.memory_space<semaphore_mem>>)
      %slice3A_471 = vector.extract_strided_slice %and3A_400 {offsets = [5], sizes = [1], strides = [1]} : vector<16xi32> to vector<1xi32>
      %squeeze3A_472 = vector.extract %slice3A_471[0] : i32 from vector<1xi32>
      %mul3A_473 = arith.constant 16 : i32
      %mul3A_474 = arith.muli %scan3A_392, %mul3A_473 : i32
      %add3A_475 = arith.constant 5 : i32
      %add3A_476 = arith.addi %mul3A_474, %add3A_475 : i32
      %dma_start3A_477 = arith.constant 0 : i32
      %dma_start3A_478 = tpu.memref_slice %arg6[%add3A_476, %dma_start3A_477] : memref<512x128xf32, #tpu.memory_space<vmem>> -> memref<1x128xf32, #tpu.memory_space<vmem>>
      %dma_start3A_479 = arith.constant 0 : i32
      %dma_start3A_480 = tpu.memref_slice %arg2[%squeeze3A_472, %dma_start3A_479] : memref<524288x128xf32, #tpu.memory_space<hbm>> -> memref<1x128xf32, #tpu.memory_space<hbm>>
      %dma_start3A_481 = arith.constant 0 : i32
      %dma_start3A_482 = tpu.memref_slice %arg6[%add3A_476, %dma_start3A_481] : memref<512x128xf32, #tpu.memory_space<vmem>> -> memref<1x128xf32, #tpu.memory_space<vmem>>
      %dma_start3A_483 = arith.constant 0 : i32
      %dma_start3A_484 = tpu.memref_slice %arg2[%squeeze3A_472, %dma_start3A_483] : memref<524288x128xf32, #tpu.memory_space<hbm>> -> memref<1x128xf32, #tpu.memory_space<hbm>>
      tpu.enqueue_dma source(%dma_start3A_484 : memref<1x128xf32, #tpu.memory_space<hbm>>) target(%dma_start3A_482 : memref<1x128xf32, #tpu.memory_space<vmem>>) target_semaphore(%arg7 : memref<!tpu.dma_semaphore, #tpu.memory_space<semaphore_mem>>)
      %slice3A_485 = vector.extract_strided_slice %and3A_400 {offsets = [6], sizes = [1], strides = [1]} : vector<16xi32> to vector<1xi32>
      %squeeze3A_486 = vector.extract %slice3A_485[0] : i32 from vector<1xi32>
      %mul3A_487 = arith.constant 16 : i32
      %mul3A_488 = arith.muli %scan3A_392, %mul3A_487 : i32
      %add3A_489 = arith.constant 6 : i32
      %add3A_490 = arith.addi %mul3A_488, %add3A_489 : i32
      %dma_start3A_491 = arith.constant 0 : i32
      %dma_start3A_492 = tpu.memref_slice %arg6[%add3A_490, %dma_start3A_491] : memref<512x128xf32, #tpu.memory_space<vmem>> -> memref<1x128xf32, #tpu.memory_space<vmem>>
      %dma_start3A_493 = arith.constant 0 : i32
      %dma_start3A_494 = tpu.memref_slice %arg2[%squeeze3A_486, %dma_start3A_493] : memref<524288x128xf32, #tpu.memory_space<hbm>> -> memref<1x128xf32, #tpu.memory_space<hbm>>
      %dma_start3A_495 = arith.constant 0 : i32
      %dma_start3A_496 = tpu.memref_slice %arg6[%add3A_490, %dma_start3A_495] : memref<512x128xf32, #tpu.memory_space<vmem>> -> memref<1x128xf32, #tpu.memory_space<vmem>>
      %dma_start3A_497 = arith.constant 0 : i32
      %dma_start3A_498 = tpu.memref_slice %arg2[%squeeze3A_486, %dma_start3A_497] : memref<524288x128xf32, #tpu.memory_space<hbm>> -> memref<1x128xf32, #tpu.memory_space<hbm>>
      tpu.enqueue_dma source(%dma_start3A_498 : memref<1x128xf32, #tpu.memory_space<hbm>>) target(%dma_start3A_496 : memref<1x128xf32, #tpu.memory_space<vmem>>) target_semaphore(%arg7 : memref<!tpu.dma_semaphore, #tpu.memory_space<semaphore_mem>>)
      %slice3A_499 = vector.extract_strided_slice %and3A_400 {offsets = [7], sizes = [1], strides = [1]} : vector<16xi32> to vector<1xi32>
      %squeeze3A_500 = vector.extract %slice3A_499[0] : i32 from vector<1xi32>
      %mul3A_501 = arith.constant 16 : i32
      %mul3A_502 = arith.muli %scan3A_392, %mul3A_501 : i32
      %add3A_503 = arith.constant 7 : i32
      %add3A_504 = arith.addi %mul3A_502, %add3A_503 : i32
      %dma_start3A_505 = arith.constant 0 : i32
      %dma_start3A_506 = tpu.memref_slice %arg6[%add3A_504, %dma_start3A_505] : memref<512x128xf32, #tpu.memory_space<vmem>> -> memref<1x128xf32, #tpu.memory_space<vmem>>
      %dma_start3A_507 = arith.constant 0 : i32
      %dma_start3A_508 = tpu.memref_slice %arg2[%squeeze3A_500, %dma_start3A_507] : memref<524288x128xf32, #tpu.memory_space<hbm>> -> memref<1x128xf32, #tpu.memory_space<hbm>>
      %dma_start3A_509 = arith.constant 0 : i32
      %dma_start3A_510 = tpu.memref_slice %arg6[%add3A_504, %dma_start3A_509] : memref<512x128xf32, #tpu.memory_space<vmem>> -> memref<1x128xf32, #tpu.memory_space<vmem>>
      %dma_start3A_511 = arith.constant 0 : i32
      %dma_start3A_512 = tpu.memref_slice %arg2[%squeeze3A_500, %dma_start3A_511] : memref<524288x128xf32, #tpu.memory_space<hbm>> -> memref<1x128xf32, #tpu.memory_space<hbm>>
      tpu.enqueue_dma source(%dma_start3A_512 : memref<1x128xf32, #tpu.memory_space<hbm>>) target(%dma_start3A_510 : memref<1x128xf32, #tpu.memory_space<vmem>>) target_semaphore(%arg7 : memref<!tpu.dma_semaphore, #tpu.memory_space<semaphore_mem>>)
      %slice3A_513 = vector.extract_strided_slice %and3A_400 {offsets = [8], sizes = [1], strides = [1]} : vector<16xi32> to vector<1xi32>
      %squeeze3A_514 = vector.extract %slice3A_513[0] : i32 from vector<1xi32>
      %mul3A_515 = arith.constant 16 : i32
      %mul3A_516 = arith.muli %scan3A_392, %mul3A_515 : i32
      %add3A_517 = arith.constant 8 : i32
      %add3A_518 = arith.addi %mul3A_516, %add3A_517 : i32
      %dma_start3A_519 = arith.constant 0 : i32
      %dma_start3A_520 = tpu.memref_slice %arg6[%add3A_518, %dma_start3A_519] : memref<512x128xf32, #tpu.memory_space<vmem>> -> memref<1x128xf32, #tpu.memory_space<vmem>>
      %dma_start3A_521 = arith.constant 0 : i32
      %dma_start3A_522 = tpu.memref_slice %arg2[%squeeze3A_514, %dma_start3A_521] : memref<524288x128xf32, #tpu.memory_space<hbm>> -> memref<1x128xf32, #tpu.memory_space<hbm>>
      %dma_start3A_523 = arith.constant 0 : i32
      %dma_start3A_524 = tpu.memref_slice %arg6[%add3A_518, %dma_start3A_523] : memref<512x128xf32, #tpu.memory_space<vmem>> -> memref<1x128xf32, #tpu.memory_space<vmem>>
      %dma_start3A_525 = arith.constant 0 : i32
      %dma_start3A_526 = tpu.memref_slice %arg2[%squeeze3A_514, %dma_start3A_525] : memref<524288x128xf32, #tpu.memory_space<hbm>> -> memref<1x128xf32, #tpu.memory_space<hbm>>
      tpu.enqueue_dma source(%dma_start3A_526 : memref<1x128xf32, #tpu.memory_space<hbm>>) target(%dma_start3A_524 : memref<1x128xf32, #tpu.memory_space<vmem>>) target_semaphore(%arg7 : memref<!tpu.dma_semaphore, #tpu.memory_space<semaphore_mem>>)
      %slice3A_527 = vector.extract_strided_slice %and3A_400 {offsets = [9], sizes = [1], strides = [1]} : vector<16xi32> to vector<1xi32>
      %squeeze3A_528 = vector.extract %slice3A_527[0] : i32 from vector<1xi32>
      %mul3A_529 = arith.constant 16 : i32
      %mul3A_530 = arith.muli %scan3A_392, %mul3A_529 : i32
      %add3A_531 = arith.constant 9 : i32
      %add3A_532 = arith.addi %mul3A_530, %add3A_531 : i32
      %dma_start3A_533 = arith.constant 0 : i32
      %dma_start3A_534 = tpu.memref_slice %arg6[%add3A_532, %dma_start3A_533] : memref<512x128xf32, #tpu.memory_space<vmem>> -> memref<1x128xf32, #tpu.memory_space<vmem>>
      %dma_start3A_535 = arith.constant 0 : i32
      %dma_start3A_536 = tpu.memref_slice %arg2[%squeeze3A_528, %dma_start3A_535] : memref<524288x128xf32, #tpu.memory_space<hbm>> -> memref<1x128xf32, #tpu.memory_space<hbm>>
      %dma_start3A_537 = arith.constant 0 : i32
      %dma_start3A_538 = tpu.memref_slice %arg6[%add3A_532, %dma_start3A_537] : memref<512x128xf32, #tpu.memory_space<vmem>> -> memref<1x128xf32, #tpu.memory_space<vmem>>
      %dma_start3A_539 = arith.constant 0 : i32
      %dma_start3A_540 = tpu.memref_slice %arg2[%squeeze3A_528, %dma_start3A_539] : memref<524288x128xf32, #tpu.memory_space<hbm>> -> memref<1x128xf32, #tpu.memory_space<hbm>>
      tpu.enqueue_dma source(%dma_start3A_540 : memref<1x128xf32, #tpu.memory_space<hbm>>) target(%dma_start3A_538 : memref<1x128xf32, #tpu.memory_space<vmem>>) target_semaphore(%arg7 : memref<!tpu.dma_semaphore, #tpu.memory_space<semaphore_mem>>)
      %slice3A_541 = vector.extract_strided_slice %and3A_400 {offsets = [10], sizes = [1], strides = [1]} : vector<16xi32> to vector<1xi32>
      %squeeze3A_542 = vector.extract %slice3A_541[0] : i32 from vector<1xi32>
      %mul3A_543 = arith.constant 16 : i32
      %mul3A_544 = arith.muli %scan3A_392, %mul3A_543 : i32
      %add3A_545 = arith.constant 10 : i32
      %add3A_546 = arith.addi %mul3A_544, %add3A_545 : i32
      %dma_start3A_547 = arith.constant 0 : i32
      %dma_start3A_548 = tpu.memref_slice %arg6[%add3A_546, %dma_start3A_547] : memref<512x128xf32, #tpu.memory_space<vmem>> -> memref<1x128xf32, #tpu.memory_space<vmem>>
      %dma_start3A_549 = arith.constant 0 : i32
      %dma_start3A_550 = tpu.memref_slice %arg2[%squeeze3A_542, %dma_start3A_549] : memref<524288x128xf32, #tpu.memory_space<hbm>> -> memref<1x128xf32, #tpu.memory_space<hbm>>
      %dma_start3A_551 = arith.constant 0 : i32
      %dma_start3A_552 = tpu.memref_slice %arg6[%add3A_546, %dma_start3A_551] : memref<512x128xf32, #tpu.memory_space<vmem>> -> memref<1x128xf32, #tpu.memory_space<vmem>>
      %dma_start3A_553 = arith.constant 0 : i32
      %dma_start3A_554 = tpu.memref_slice %arg2[%squeeze3A_542, %dma_start3A_553] : memref<524288x128xf32, #tpu.memory_space<hbm>> -> memref<1x128xf32, #tpu.memory_space<hbm>>
      tpu.enqueue_dma source(%dma_start3A_554 : memref<1x128xf32, #tpu.memory_space<hbm>>) target(%dma_start3A_552 : memref<1x128xf32, #tpu.memory_space<vmem>>) target_semaphore(%arg7 : memref<!tpu.dma_semaphore, #tpu.memory_space<semaphore_mem>>)
      %slice3A_555 = vector.extract_strided_slice %and3A_400 {offsets = [11], sizes = [1], strides = [1]} : vector<16xi32> to vector<1xi32>
      %squeeze3A_556 = vector.extract %slice3A_555[0] : i32 from vector<1xi32>
      %mul3A_557 = arith.constant 16 : i32
      %mul3A_558 = arith.muli %scan3A_392, %mul3A_557 : i32
      %add3A_559 = arith.constant 11 : i32
      %add3A_560 = arith.addi %mul3A_558, %add3A_559 : i32
      %dma_start3A_561 = arith.constant 0 : i32
      %dma_start3A_562 = tpu.memref_slice %arg6[%add3A_560, %dma_start3A_561] : memref<512x128xf32, #tpu.memory_space<vmem>> -> memref<1x128xf32, #tpu.memory_space<vmem>>
      %dma_start3A_563 = arith.constant 0 : i32
      %dma_start3A_564 = tpu.memref_slice %arg2[%squeeze3A_556, %dma_start3A_563] : memref<524288x128xf32, #tpu.memory_space<hbm>> -> memref<1x128xf32, #tpu.memory_space<hbm>>
      %dma_start3A_565 = arith.constant 0 : i32
      %dma_start3A_566 = tpu.memref_slice %arg6[%add3A_560, %dma_start3A_565] : memref<512x128xf32, #tpu.memory_space<vmem>> -> memref<1x128xf32, #tpu.memory_space<vmem>>
      %dma_start3A_567 = arith.constant 0 : i32
      %dma_start3A_568 = tpu.memref_slice %arg2[%squeeze3A_556, %dma_start3A_567] : memref<524288x128xf32, #tpu.memory_space<hbm>> -> memref<1x128xf32, #tpu.memory_space<hbm>>
      tpu.enqueue_dma source(%dma_start3A_568 : memref<1x128xf32, #tpu.memory_space<hbm>>) target(%dma_start3A_566 : memref<1x128xf32, #tpu.memory_space<vmem>>) target_semaphore(%arg7 : memref<!tpu.dma_semaphore, #tpu.memory_space<semaphore_mem>>)
      %slice3A_569 = vector.extract_strided_slice %and3A_400 {offsets = [12], sizes = [1], strides = [1]} : vector<16xi32> to vector<1xi32>
      %squeeze3A_570 = vector.extract %slice3A_569[0] : i32 from vector<1xi32>
      %mul3A_571 = arith.constant 16 : i32
      %mul3A_572 = arith.muli %scan3A_392, %mul3A_571 : i32
      %add3A_573 = arith.constant 12 : i32
      %add3A_574 = arith.addi %mul3A_572, %add3A_573 : i32
      %dma_start3A_575 = arith.constant 0 : i32
      %dma_start3A_576 = tpu.memref_slice %arg6[%add3A_574, %dma_start3A_575] : memref<512x128xf32, #tpu.memory_space<vmem>> -> memref<1x128xf32, #tpu.memory_space<vmem>>
      %dma_start3A_577 = arith.constant 0 : i32
      %dma_start3A_578 = tpu.memref_slice %arg2[%squeeze3A_570, %dma_start3A_577] : memref<524288x128xf32, #tpu.memory_space<hbm>> -> memref<1x128xf32, #tpu.memory_space<hbm>>
      %dma_start3A_579 = arith.constant 0 : i32
      %dma_start3A_580 = tpu.memref_slice %arg6[%add3A_574, %dma_start3A_579] : memref<512x128xf32, #tpu.memory_space<vmem>> -> memref<1x128xf32, #tpu.memory_space<vmem>>
      %dma_start3A_581 = arith.constant 0 : i32
      %dma_start3A_582 = tpu.memref_slice %arg2[%squeeze3A_570, %dma_start3A_581] : memref<524288x128xf32, #tpu.memory_space<hbm>> -> memref<1x128xf32, #tpu.memory_space<hbm>>
      tpu.enqueue_dma source(%dma_start3A_582 : memref<1x128xf32, #tpu.memory_space<hbm>>) target(%dma_start3A_580 : memref<1x128xf32, #tpu.memory_space<vmem>>) target_semaphore(%arg7 : memref<!tpu.dma_semaphore, #tpu.memory_space<semaphore_mem>>)
      %slice3A_583 = vector.extract_strided_slice %and3A_400 {offsets = [13], sizes = [1], strides = [1]} : vector<16xi32> to vector<1xi32>
      %squeeze3A_584 = vector.extract %slice3A_583[0] : i32 from vector<1xi32>
      %mul3A_585 = arith.constant 16 : i32
      %mul3A_586 = arith.muli %scan3A_392, %mul3A_585 : i32
      %add3A_587 = arith.constant 13 : i32
      %add3A_588 = arith.addi %mul3A_586, %add3A_587 : i32
      %dma_start3A_589 = arith.constant 0 : i32
      %dma_start3A_590 = tpu.memref_slice %arg6[%add3A_588, %dma_start3A_589] : memref<512x128xf32, #tpu.memory_space<vmem>> -> memref<1x128xf32, #tpu.memory_space<vmem>>
      %dma_start3A_591 = arith.constant 0 : i32
      %dma_start3A_592 = tpu.memref_slice %arg2[%squeeze3A_584, %dma_start3A_591] : memref<524288x128xf32, #tpu.memory_space<hbm>> -> memref<1x128xf32, #tpu.memory_space<hbm>>
      %dma_start3A_593 = arith.constant 0 : i32
      %dma_start3A_594 = tpu.memref_slice %arg6[%add3A_588, %dma_start3A_593] : memref<512x128xf32, #tpu.memory_space<vmem>> -> memref<1x128xf32, #tpu.memory_space<vmem>>
      %dma_start3A_595 = arith.constant 0 : i32
      %dma_start3A_596 = tpu.memref_slice %arg2[%squeeze3A_584, %dma_start3A_595] : memref<524288x128xf32, #tpu.memory_space<hbm>> -> memref<1x128xf32, #tpu.memory_space<hbm>>
      tpu.enqueue_dma source(%dma_start3A_596 : memref<1x128xf32, #tpu.memory_space<hbm>>) target(%dma_start3A_594 : memref<1x128xf32, #tpu.memory_space<vmem>>) target_semaphore(%arg7 : memref<!tpu.dma_semaphore, #tpu.memory_space<semaphore_mem>>)
      %slice3A_597 = vector.extract_strided_slice %and3A_400 {offsets = [14], sizes = [1], strides = [1]} : vector<16xi32> to vector<1xi32>
      %squeeze3A_598 = vector.extract %slice3A_597[0] : i32 from vector<1xi32>
      %mul3A_599 = arith.constant 16 : i32
      %mul3A_600 = arith.muli %scan3A_392, %mul3A_599 : i32
      %add3A_601 = arith.constant 14 : i32
      %add3A_602 = arith.addi %mul3A_600, %add3A_601 : i32
      %dma_start3A_603 = arith.constant 0 : i32
      %dma_start3A_604 = tpu.memref_slice %arg6[%add3A_602, %dma_start3A_603] : memref<512x128xf32, #tpu.memory_space<vmem>> -> memref<1x128xf32, #tpu.memory_space<vmem>>
      %dma_start3A_605 = arith.constant 0 : i32
      %dma_start3A_606 = tpu.memref_slice %arg2[%squeeze3A_598, %dma_start3A_605] : memref<524288x128xf32, #tpu.memory_space<hbm>> -> memref<1x128xf32, #tpu.memory_space<hbm>>
      %dma_start3A_607 = arith.constant 0 : i32
      %dma_start3A_608 = tpu.memref_slice %arg6[%add3A_602, %dma_start3A_607] : memref<512x128xf32, #tpu.memory_space<vmem>> -> memref<1x128xf32, #tpu.memory_space<vmem>>
      %dma_start3A_609 = arith.constant 0 : i32
      %dma_start3A_610 = tpu.memref_slice %arg2[%squeeze3A_598, %dma_start3A_609] : memref<524288x128xf32, #tpu.memory_space<hbm>> -> memref<1x128xf32, #tpu.memory_space<hbm>>
      tpu.enqueue_dma source(%dma_start3A_610 : memref<1x128xf32, #tpu.memory_space<hbm>>) target(%dma_start3A_608 : memref<1x128xf32, #tpu.memory_space<vmem>>) target_semaphore(%arg7 : memref<!tpu.dma_semaphore, #tpu.memory_space<semaphore_mem>>)
      %slice3A_611 = vector.extract_strided_slice %and3A_400 {offsets = [15], sizes = [1], strides = [1]} : vector<16xi32> to vector<1xi32>
      %squeeze3A_612 = vector.extract %slice3A_611[0] : i32 from vector<1xi32>
      %mul3A_613 = arith.constant 16 : i32
      %mul3A_614 = arith.muli %scan3A_392, %mul3A_613 : i32
      %add3A_615 = arith.constant 15 : i32
      %add3A_616 = arith.addi %mul3A_614, %add3A_615 : i32
      %dma_start3A_617 = arith.constant 0 : i32
      %dma_start3A_618 = tpu.memref_slice %arg6[%add3A_616, %dma_start3A_617] : memref<512x128xf32, #tpu.memory_space<vmem>> -> memref<1x128xf32, #tpu.memory_space<vmem>>
      %dma_start3A_619 = arith.constant 0 : i32
      %dma_start3A_620 = tpu.memref_slice %arg2[%squeeze3A_612, %dma_start3A_619] : memref<524288x128xf32, #tpu.memory_space<hbm>> -> memref<1x128xf32, #tpu.memory_space<hbm>>
      %dma_start3A_621 = arith.constant 0 : i32
      %dma_start3A_622 = tpu.memref_slice %arg6[%add3A_616, %dma_start3A_621] : memref<512x128xf32, #tpu.memory_space<vmem>> -> memref<1x128xf32, #tpu.memory_space<vmem>>
      %dma_start3A_623 = arith.constant 0 : i32
      %dma_start3A_624 = tpu.memref_slice %arg2[%squeeze3A_612, %dma_start3A_623] : memref<524288x128xf32, #tpu.memory_space<hbm>> -> memref<1x128xf32, #tpu.memory_space<hbm>>
      tpu.enqueue_dma source(%dma_start3A_624 : memref<1x128xf32, #tpu.memory_space<hbm>>) target(%dma_start3A_622 : memref<1x128xf32, #tpu.memory_space<vmem>>) target_semaphore(%arg7 : memref<!tpu.dma_semaphore, #tpu.memory_space<semaphore_mem>>)
      %sub3A = arith.constant 1 : i32
      %sub3A_625 = arith.subi %scan3A_392, %sub3A : i32
      %mul3A_626 = arith.constant 16 : i32
      %mul3A_627 = arith.muli %sub3A_625, %mul3A_626 : i32
      %add3A_628 = arith.constant 0 : i32
      %add3A_629 = arith.addi %mul3A_627, %add3A_628 : i32
      %dma_wait3A_630 = arith.constant 0 : i32
      %dma_wait3A_631 = tpu.memref_slice %arg6[%add3A_629, %dma_wait3A_630] : memref<512x128xf32, #tpu.memory_space<vmem>> -> memref<1x128xf32, #tpu.memory_space<vmem>>
      %dma_wait3A_632 = arith.constant 0 : i32
      %dma_wait3A_633 = arith.constant 0 : i32
      %dma_wait3A_634 = tpu.memref_slice %arg2[%dma_wait3A_632, %dma_wait3A_633] : memref<524288x128xf32, #tpu.memory_space<hbm>> -> memref<1x128xf32, #tpu.memory_space<hbm>>
      %dma_wait3A_635 = arith.constant 0 : i32
      %dma_wait3A_636 = tpu.memref_slice %arg6[%add3A_629, %dma_wait3A_635] : memref<512x128xf32, #tpu.memory_space<vmem>> -> memref<1x128xf32, #tpu.memory_space<vmem>>
      %dma_wait3A_637 = arith.constant 0 : i32
      %dma_wait3A_638 = arith.constant 0 : i32
      %dma_wait3A_639 = tpu.memref_slice %arg2[%dma_wait3A_637, %dma_wait3A_638] : memref<524288x128xf32, #tpu.memory_space<hbm>> -> memref<1x128xf32, #tpu.memory_space<hbm>>
      tpu.wait_dma2 semaphore(%arg7 : memref<!tpu.dma_semaphore, #tpu.memory_space<semaphore_mem>>) src(%dma_wait3A_639 : memref<1x128xf32, #tpu.memory_space<hbm>>) dst(%dma_wait3A_636 : memref<1x128xf32, #tpu.memory_space<vmem>>)
      %mul3A_640 = arith.constant 16 : i32
      %mul3A_641 = arith.muli %sub3A_625, %mul3A_640 : i32
      %add3A_642 = arith.constant 1 : i32
      %add3A_643 = arith.addi %mul3A_641, %add3A_642 : i32
      %dma_wait3A_644 = arith.constant 0 : i32
      %dma_wait3A_645 = tpu.memref_slice %arg6[%add3A_643, %dma_wait3A_644] : memref<512x128xf32, #tpu.memory_space<vmem>> -> memref<1x128xf32, #tpu.memory_space<vmem>>
      %dma_wait3A_646 = arith.constant 0 : i32
      %dma_wait3A_647 = arith.constant 0 : i32
      %dma_wait3A_648 = tpu.memref_slice %arg2[%dma_wait3A_646, %dma_wait3A_647] : memref<524288x128xf32, #tpu.memory_space<hbm>> -> memref<1x128xf32, #tpu.memory_space<hbm>>
      %dma_wait3A_649 = arith.constant 0 : i32
      %dma_wait3A_650 = tpu.memref_slice %arg6[%add3A_643, %dma_wait3A_649] : memref<512x128xf32, #tpu.memory_space<vmem>> -> memref<1x128xf32, #tpu.memory_space<vmem>>
      %dma_wait3A_651 = arith.constant 0 : i32
      %dma_wait3A_652 = arith.constant 0 : i32
      %dma_wait3A_653 = tpu.memref_slice %arg2[%dma_wait3A_651, %dma_wait3A_652] : memref<524288x128xf32, #tpu.memory_space<hbm>> -> memref<1x128xf32, #tpu.memory_space<hbm>>
      tpu.wait_dma2 semaphore(%arg7 : memref<!tpu.dma_semaphore, #tpu.memory_space<semaphore_mem>>) src(%dma_wait3A_653 : memref<1x128xf32, #tpu.memory_space<hbm>>) dst(%dma_wait3A_650 : memref<1x128xf32, #tpu.memory_space<vmem>>)
      %mul3A_654 = arith.constant 16 : i32
      %mul3A_655 = arith.muli %sub3A_625, %mul3A_654 : i32
      %add3A_656 = arith.constant 2 : i32
      %add3A_657 = arith.addi %mul3A_655, %add3A_656 : i32
      %dma_wait3A_658 = arith.constant 0 : i32
      %dma_wait3A_659 = tpu.memref_slice %arg6[%add3A_657, %dma_wait3A_658] : memref<512x128xf32, #tpu.memory_space<vmem>> -> memref<1x128xf32, #tpu.memory_space<vmem>>
      %dma_wait3A_660 = arith.constant 0 : i32
      %dma_wait3A_661 = arith.constant 0 : i32
      %dma_wait3A_662 = tpu.memref_slice %arg2[%dma_wait3A_660, %dma_wait3A_661] : memref<524288x128xf32, #tpu.memory_space<hbm>> -> memref<1x128xf32, #tpu.memory_space<hbm>>
      %dma_wait3A_663 = arith.constant 0 : i32
      %dma_wait3A_664 = tpu.memref_slice %arg6[%add3A_657, %dma_wait3A_663] : memref<512x128xf32, #tpu.memory_space<vmem>> -> memref<1x128xf32, #tpu.memory_space<vmem>>
      %dma_wait3A_665 = arith.constant 0 : i32
      %dma_wait3A_666 = arith.constant 0 : i32
      %dma_wait3A_667 = tpu.memref_slice %arg2[%dma_wait3A_665, %dma_wait3A_666] : memref<524288x128xf32, #tpu.memory_space<hbm>> -> memref<1x128xf32, #tpu.memory_space<hbm>>
      tpu.wait_dma2 semaphore(%arg7 : memref<!tpu.dma_semaphore, #tpu.memory_space<semaphore_mem>>) src(%dma_wait3A_667 : memref<1x128xf32, #tpu.memory_space<hbm>>) dst(%dma_wait3A_664 : memref<1x128xf32, #tpu.memory_space<vmem>>)
      %mul3A_668 = arith.constant 16 : i32
      %mul3A_669 = arith.muli %sub3A_625, %mul3A_668 : i32
      %add3A_670 = arith.constant 3 : i32
      %add3A_671 = arith.addi %mul3A_669, %add3A_670 : i32
      %dma_wait3A_672 = arith.constant 0 : i32
      %dma_wait3A_673 = tpu.memref_slice %arg6[%add3A_671, %dma_wait3A_672] : memref<512x128xf32, #tpu.memory_space<vmem>> -> memref<1x128xf32, #tpu.memory_space<vmem>>
      %dma_wait3A_674 = arith.constant 0 : i32
      %dma_wait3A_675 = arith.constant 0 : i32
      %dma_wait3A_676 = tpu.memref_slice %arg2[%dma_wait3A_674, %dma_wait3A_675] : memref<524288x128xf32, #tpu.memory_space<hbm>> -> memref<1x128xf32, #tpu.memory_space<hbm>>
      %dma_wait3A_677 = arith.constant 0 : i32
      %dma_wait3A_678 = tpu.memref_slice %arg6[%add3A_671, %dma_wait3A_677] : memref<512x128xf32, #tpu.memory_space<vmem>> -> memref<1x128xf32, #tpu.memory_space<vmem>>
      %dma_wait3A_679 = arith.constant 0 : i32
      %dma_wait3A_680 = arith.constant 0 : i32
      %dma_wait3A_681 = tpu.memref_slice %arg2[%dma_wait3A_679, %dma_wait3A_680] : memref<524288x128xf32, #tpu.memory_space<hbm>> -> memref<1x128xf32, #tpu.memory_space<hbm>>
      tpu.wait_dma2 semaphore(%arg7 : memref<!tpu.dma_semaphore, #tpu.memory_space<semaphore_mem>>) src(%dma_wait3A_681 : memref<1x128xf32, #tpu.memory_space<hbm>>) dst(%dma_wait3A_678 : memref<1x128xf32, #tpu.memory_space<vmem>>)
      %mul3A_682 = arith.constant 16 : i32
      %mul3A_683 = arith.muli %sub3A_625, %mul3A_682 : i32
      %add3A_684 = arith.constant 4 : i32
      %add3A_685 = arith.addi %mul3A_683, %add3A_684 : i32
      %dma_wait3A_686 = arith.constant 0 : i32
      %dma_wait3A_687 = tpu.memref_slice %arg6[%add3A_685, %dma_wait3A_686] : memref<512x128xf32, #tpu.memory_space<vmem>> -> memref<1x128xf32, #tpu.memory_space<vmem>>
      %dma_wait3A_688 = arith.constant 0 : i32
      %dma_wait3A_689 = arith.constant 0 : i32
      %dma_wait3A_690 = tpu.memref_slice %arg2[%dma_wait3A_688, %dma_wait3A_689] : memref<524288x128xf32, #tpu.memory_space<hbm>> -> memref<1x128xf32, #tpu.memory_space<hbm>>
      %dma_wait3A_691 = arith.constant 0 : i32
      %dma_wait3A_692 = tpu.memref_slice %arg6[%add3A_685, %dma_wait3A_691] : memref<512x128xf32, #tpu.memory_space<vmem>> -> memref<1x128xf32, #tpu.memory_space<vmem>>
      %dma_wait3A_693 = arith.constant 0 : i32
      %dma_wait3A_694 = arith.constant 0 : i32
      %dma_wait3A_695 = tpu.memref_slice %arg2[%dma_wait3A_693, %dma_wait3A_694] : memref<524288x128xf32, #tpu.memory_space<hbm>> -> memref<1x128xf32, #tpu.memory_space<hbm>>
      tpu.wait_dma2 semaphore(%arg7 : memref<!tpu.dma_semaphore, #tpu.memory_space<semaphore_mem>>) src(%dma_wait3A_695 : memref<1x128xf32, #tpu.memory_space<hbm>>) dst(%dma_wait3A_692 : memref<1x128xf32, #tpu.memory_space<vmem>>)
      %mul3A_696 = arith.constant 16 : i32
      %mul3A_697 = arith.muli %sub3A_625, %mul3A_696 : i32
      %add3A_698 = arith.constant 5 : i32
      %add3A_699 = arith.addi %mul3A_697, %add3A_698 : i32
      %dma_wait3A_700 = arith.constant 0 : i32
      %dma_wait3A_701 = tpu.memref_slice %arg6[%add3A_699, %dma_wait3A_700] : memref<512x128xf32, #tpu.memory_space<vmem>> -> memref<1x128xf32, #tpu.memory_space<vmem>>
      %dma_wait3A_702 = arith.constant 0 : i32
      %dma_wait3A_703 = arith.constant 0 : i32
      %dma_wait3A_704 = tpu.memref_slice %arg2[%dma_wait3A_702, %dma_wait3A_703] : memref<524288x128xf32, #tpu.memory_space<hbm>> -> memref<1x128xf32, #tpu.memory_space<hbm>>
      %dma_wait3A_705 = arith.constant 0 : i32
      %dma_wait3A_706 = tpu.memref_slice %arg6[%add3A_699, %dma_wait3A_705] : memref<512x128xf32, #tpu.memory_space<vmem>> -> memref<1x128xf32, #tpu.memory_space<vmem>>
      %dma_wait3A_707 = arith.constant 0 : i32
      %dma_wait3A_708 = arith.constant 0 : i32
      %dma_wait3A_709 = tpu.memref_slice %arg2[%dma_wait3A_707, %dma_wait3A_708] : memref<524288x128xf32, #tpu.memory_space<hbm>> -> memref<1x128xf32, #tpu.memory_space<hbm>>
      tpu.wait_dma2 semaphore(%arg7 : memref<!tpu.dma_semaphore, #tpu.memory_space<semaphore_mem>>) src(%dma_wait3A_709 : memref<1x128xf32, #tpu.memory_space<hbm>>) dst(%dma_wait3A_706 : memref<1x128xf32, #tpu.memory_space<vmem>>)
      %mul3A_710 = arith.constant 16 : i32
      %mul3A_711 = arith.muli %sub3A_625, %mul3A_710 : i32
      %add3A_712 = arith.constant 6 : i32
      %add3A_713 = arith.addi %mul3A_711, %add3A_712 : i32
      %dma_wait3A_714 = arith.constant 0 : i32
      %dma_wait3A_715 = tpu.memref_slice %arg6[%add3A_713, %dma_wait3A_714] : memref<512x128xf32, #tpu.memory_space<vmem>> -> memref<1x128xf32, #tpu.memory_space<vmem>>
      %dma_wait3A_716 = arith.constant 0 : i32
      %dma_wait3A_717 = arith.constant 0 : i32
      %dma_wait3A_718 = tpu.memref_slice %arg2[%dma_wait3A_716, %dma_wait3A_717] : memref<524288x128xf32, #tpu.memory_space<hbm>> -> memref<1x128xf32, #tpu.memory_space<hbm>>
      %dma_wait3A_719 = arith.constant 0 : i32
      %dma_wait3A_720 = tpu.memref_slice %arg6[%add3A_713, %dma_wait3A_719] : memref<512x128xf32, #tpu.memory_space<vmem>> -> memref<1x128xf32, #tpu.memory_space<vmem>>
      %dma_wait3A_721 = arith.constant 0 : i32
      %dma_wait3A_722 = arith.constant 0 : i32
      %dma_wait3A_723 = tpu.memref_slice %arg2[%dma_wait3A_721, %dma_wait3A_722] : memref<524288x128xf32, #tpu.memory_space<hbm>> -> memref<1x128xf32, #tpu.memory_space<hbm>>
      tpu.wait_dma2 semaphore(%arg7 : memref<!tpu.dma_semaphore, #tpu.memory_space<semaphore_mem>>) src(%dma_wait3A_723 : memref<1x128xf32, #tpu.memory_space<hbm>>) dst(%dma_wait3A_720 : memref<1x128xf32, #tpu.memory_space<vmem>>)
      %mul3A_724 = arith.constant 16 : i32
      %mul3A_725 = arith.muli %sub3A_625, %mul3A_724 : i32
      %add3A_726 = arith.constant 7 : i32
      %add3A_727 = arith.addi %mul3A_725, %add3A_726 : i32
      %dma_wait3A_728 = arith.constant 0 : i32
      %dma_wait3A_729 = tpu.memref_slice %arg6[%add3A_727, %dma_wait3A_728] : memref<512x128xf32, #tpu.memory_space<vmem>> -> memref<1x128xf32, #tpu.memory_space<vmem>>
      %dma_wait3A_730 = arith.constant 0 : i32
      %dma_wait3A_731 = arith.constant 0 : i32
      %dma_wait3A_732 = tpu.memref_slice %arg2[%dma_wait3A_730, %dma_wait3A_731] : memref<524288x128xf32, #tpu.memory_space<hbm>> -> memref<1x128xf32, #tpu.memory_space<hbm>>
      %dma_wait3A_733 = arith.constant 0 : i32
      %dma_wait3A_734 = tpu.memref_slice %arg6[%add3A_727, %dma_wait3A_733] : memref<512x128xf32, #tpu.memory_space<vmem>> -> memref<1x128xf32, #tpu.memory_space<vmem>>
      %dma_wait3A_735 = arith.constant 0 : i32
      %dma_wait3A_736 = arith.constant 0 : i32
      %dma_wait3A_737 = tpu.memref_slice %arg2[%dma_wait3A_735, %dma_wait3A_736] : memref<524288x128xf32, #tpu.memory_space<hbm>> -> memref<1x128xf32, #tpu.memory_space<hbm>>
      tpu.wait_dma2 semaphore(%arg7 : memref<!tpu.dma_semaphore, #tpu.memory_space<semaphore_mem>>) src(%dma_wait3A_737 : memref<1x128xf32, #tpu.memory_space<hbm>>) dst(%dma_wait3A_734 : memref<1x128xf32, #tpu.memory_space<vmem>>)
      %mul3A_738 = arith.constant 16 : i32
      %mul3A_739 = arith.muli %sub3A_625, %mul3A_738 : i32
      %add3A_740 = arith.constant 8 : i32
      %add3A_741 = arith.addi %mul3A_739, %add3A_740 : i32
      %dma_wait3A_742 = arith.constant 0 : i32
      %dma_wait3A_743 = tpu.memref_slice %arg6[%add3A_741, %dma_wait3A_742] : memref<512x128xf32, #tpu.memory_space<vmem>> -> memref<1x128xf32, #tpu.memory_space<vmem>>
      %dma_wait3A_744 = arith.constant 0 : i32
      %dma_wait3A_745 = arith.constant 0 : i32
      %dma_wait3A_746 = tpu.memref_slice %arg2[%dma_wait3A_744, %dma_wait3A_745] : memref<524288x128xf32, #tpu.memory_space<hbm>> -> memref<1x128xf32, #tpu.memory_space<hbm>>
      %dma_wait3A_747 = arith.constant 0 : i32
      %dma_wait3A_748 = tpu.memref_slice %arg6[%add3A_741, %dma_wait3A_747] : memref<512x128xf32, #tpu.memory_space<vmem>> -> memref<1x128xf32, #tpu.memory_space<vmem>>
      %dma_wait3A_749 = arith.constant 0 : i32
      %dma_wait3A_750 = arith.constant 0 : i32
      %dma_wait3A_751 = tpu.memref_slice %arg2[%dma_wait3A_749, %dma_wait3A_750] : memref<524288x128xf32, #tpu.memory_space<hbm>> -> memref<1x128xf32, #tpu.memory_space<hbm>>
      tpu.wait_dma2 semaphore(%arg7 : memref<!tpu.dma_semaphore, #tpu.memory_space<semaphore_mem>>) src(%dma_wait3A_751 : memref<1x128xf32, #tpu.memory_space<hbm>>) dst(%dma_wait3A_748 : memref<1x128xf32, #tpu.memory_space<vmem>>)
      %mul3A_752 = arith.constant 16 : i32
      %mul3A_753 = arith.muli %sub3A_625, %mul3A_752 : i32
      %add3A_754 = arith.constant 9 : i32
      %add3A_755 = arith.addi %mul3A_753, %add3A_754 : i32
      %dma_wait3A_756 = arith.constant 0 : i32
      %dma_wait3A_757 = tpu.memref_slice %arg6[%add3A_755, %dma_wait3A_756] : memref<512x128xf32, #tpu.memory_space<vmem>> -> memref<1x128xf32, #tpu.memory_space<vmem>>
      %dma_wait3A_758 = arith.constant 0 : i32
      %dma_wait3A_759 = arith.constant 0 : i32
      %dma_wait3A_760 = tpu.memref_slice %arg2[%dma_wait3A_758, %dma_wait3A_759] : memref<524288x128xf32, #tpu.memory_space<hbm>> -> memref<1x128xf32, #tpu.memory_space<hbm>>
      %dma_wait3A_761 = arith.constant 0 : i32
      %dma_wait3A_762 = tpu.memref_slice %arg6[%add3A_755, %dma_wait3A_761] : memref<512x128xf32, #tpu.memory_space<vmem>> -> memref<1x128xf32, #tpu.memory_space<vmem>>
      %dma_wait3A_763 = arith.constant 0 : i32
      %dma_wait3A_764 = arith.constant 0 : i32
      %dma_wait3A_765 = tpu.memref_slice %arg2[%dma_wait3A_763, %dma_wait3A_764] : memref<524288x128xf32, #tpu.memory_space<hbm>> -> memref<1x128xf32, #tpu.memory_space<hbm>>
      tpu.wait_dma2 semaphore(%arg7 : memref<!tpu.dma_semaphore, #tpu.memory_space<semaphore_mem>>) src(%dma_wait3A_765 : memref<1x128xf32, #tpu.memory_space<hbm>>) dst(%dma_wait3A_762 : memref<1x128xf32, #tpu.memory_space<vmem>>)
      %mul3A_766 = arith.constant 16 : i32
      %mul3A_767 = arith.muli %sub3A_625, %mul3A_766 : i32
      %add3A_768 = arith.constant 10 : i32
      %add3A_769 = arith.addi %mul3A_767, %add3A_768 : i32
      %dma_wait3A_770 = arith.constant 0 : i32
      %dma_wait3A_771 = tpu.memref_slice %arg6[%add3A_769, %dma_wait3A_770] : memref<512x128xf32, #tpu.memory_space<vmem>> -> memref<1x128xf32, #tpu.memory_space<vmem>>
      %dma_wait3A_772 = arith.constant 0 : i32
      %dma_wait3A_773 = arith.constant 0 : i32
      %dma_wait3A_774 = tpu.memref_slice %arg2[%dma_wait3A_772, %dma_wait3A_773] : memref<524288x128xf32, #tpu.memory_space<hbm>> -> memref<1x128xf32, #tpu.memory_space<hbm>>
      %dma_wait3A_775 = arith.constant 0 : i32
      %dma_wait3A_776 = tpu.memref_slice %arg6[%add3A_769, %dma_wait3A_775] : memref<512x128xf32, #tpu.memory_space<vmem>> -> memref<1x128xf32, #tpu.memory_space<vmem>>
      %dma_wait3A_777 = arith.constant 0 : i32
      %dma_wait3A_778 = arith.constant 0 : i32
      %dma_wait3A_779 = tpu.memref_slice %arg2[%dma_wait3A_777, %dma_wait3A_778] : memref<524288x128xf32, #tpu.memory_space<hbm>> -> memref<1x128xf32, #tpu.memory_space<hbm>>
      tpu.wait_dma2 semaphore(%arg7 : memref<!tpu.dma_semaphore, #tpu.memory_space<semaphore_mem>>) src(%dma_wait3A_779 : memref<1x128xf32, #tpu.memory_space<hbm>>) dst(%dma_wait3A_776 : memref<1x128xf32, #tpu.memory_space<vmem>>)
      %mul3A_780 = arith.constant 16 : i32
      %mul3A_781 = arith.muli %sub3A_625, %mul3A_780 : i32
      %add3A_782 = arith.constant 11 : i32
      %add3A_783 = arith.addi %mul3A_781, %add3A_782 : i32
      %dma_wait3A_784 = arith.constant 0 : i32
      %dma_wait3A_785 = tpu.memref_slice %arg6[%add3A_783, %dma_wait3A_784] : memref<512x128xf32, #tpu.memory_space<vmem>> -> memref<1x128xf32, #tpu.memory_space<vmem>>
      %dma_wait3A_786 = arith.constant 0 : i32
      %dma_wait3A_787 = arith.constant 0 : i32
      %dma_wait3A_788 = tpu.memref_slice %arg2[%dma_wait3A_786, %dma_wait3A_787] : memref<524288x128xf32, #tpu.memory_space<hbm>> -> memref<1x128xf32, #tpu.memory_space<hbm>>
      %dma_wait3A_789 = arith.constant 0 : i32
      %dma_wait3A_790 = tpu.memref_slice %arg6[%add3A_783, %dma_wait3A_789] : memref<512x128xf32, #tpu.memory_space<vmem>> -> memref<1x128xf32, #tpu.memory_space<vmem>>
      %dma_wait3A_791 = arith.constant 0 : i32
      %dma_wait3A_792 = arith.constant 0 : i32
      %dma_wait3A_793 = tpu.memref_slice %arg2[%dma_wait3A_791, %dma_wait3A_792] : memref<524288x128xf32, #tpu.memory_space<hbm>> -> memref<1x128xf32, #tpu.memory_space<hbm>>
      tpu.wait_dma2 semaphore(%arg7 : memref<!tpu.dma_semaphore, #tpu.memory_space<semaphore_mem>>) src(%dma_wait3A_793 : memref<1x128xf32, #tpu.memory_space<hbm>>) dst(%dma_wait3A_790 : memref<1x128xf32, #tpu.memory_space<vmem>>)
      %mul3A_794 = arith.constant 16 : i32
      %mul3A_795 = arith.muli %sub3A_625, %mul3A_794 : i32
      %add3A_796 = arith.constant 12 : i32
      %add3A_797 = arith.addi %mul3A_795, %add3A_796 : i32
      %dma_wait3A_798 = arith.constant 0 : i32
      %dma_wait3A_799 = tpu.memref_slice %arg6[%add3A_797, %dma_wait3A_798] : memref<512x128xf32, #tpu.memory_space<vmem>> -> memref<1x128xf32, #tpu.memory_space<vmem>>
      %dma_wait3A_800 = arith.constant 0 : i32
      %dma_wait3A_801 = arith.constant 0 : i32
      %dma_wait3A_802 = tpu.memref_slice %arg2[%dma_wait3A_800, %dma_wait3A_801] : memref<524288x128xf32, #tpu.memory_space<hbm>> -> memref<1x128xf32, #tpu.memory_space<hbm>>
      %dma_wait3A_803 = arith.constant 0 : i32
      %dma_wait3A_804 = tpu.memref_slice %arg6[%add3A_797, %dma_wait3A_803] : memref<512x128xf32, #tpu.memory_space<vmem>> -> memref<1x128xf32, #tpu.memory_space<vmem>>
      %dma_wait3A_805 = arith.constant 0 : i32
      %dma_wait3A_806 = arith.constant 0 : i32
      %dma_wait3A_807 = tpu.memref_slice %arg2[%dma_wait3A_805, %dma_wait3A_806] : memref<524288x128xf32, #tpu.memory_space<hbm>> -> memref<1x128xf32, #tpu.memory_space<hbm>>
      tpu.wait_dma2 semaphore(%arg7 : memref<!tpu.dma_semaphore, #tpu.memory_space<semaphore_mem>>) src(%dma_wait3A_807 : memref<1x128xf32, #tpu.memory_space<hbm>>) dst(%dma_wait3A_804 : memref<1x128xf32, #tpu.memory_space<vmem>>)
      %mul3A_808 = arith.constant 16 : i32
      %mul3A_809 = arith.muli %sub3A_625, %mul3A_808 : i32
      %add3A_810 = arith.constant 13 : i32
      %add3A_811 = arith.addi %mul3A_809, %add3A_810 : i32
      %dma_wait3A_812 = arith.constant 0 : i32
      %dma_wait3A_813 = tpu.memref_slice %arg6[%add3A_811, %dma_wait3A_812] : memref<512x128xf32, #tpu.memory_space<vmem>> -> memref<1x128xf32, #tpu.memory_space<vmem>>
      %dma_wait3A_814 = arith.constant 0 : i32
      %dma_wait3A_815 = arith.constant 0 : i32
      %dma_wait3A_816 = tpu.memref_slice %arg2[%dma_wait3A_814, %dma_wait3A_815] : memref<524288x128xf32, #tpu.memory_space<hbm>> -> memref<1x128xf32, #tpu.memory_space<hbm>>
      %dma_wait3A_817 = arith.constant 0 : i32
      %dma_wait3A_818 = tpu.memref_slice %arg6[%add3A_811, %dma_wait3A_817] : memref<512x128xf32, #tpu.memory_space<vmem>> -> memref<1x128xf32, #tpu.memory_space<vmem>>
      %dma_wait3A_819 = arith.constant 0 : i32
      %dma_wait3A_820 = arith.constant 0 : i32
      %dma_wait3A_821 = tpu.memref_slice %arg2[%dma_wait3A_819, %dma_wait3A_820] : memref<524288x128xf32, #tpu.memory_space<hbm>> -> memref<1x128xf32, #tpu.memory_space<hbm>>
      tpu.wait_dma2 semaphore(%arg7 : memref<!tpu.dma_semaphore, #tpu.memory_space<semaphore_mem>>) src(%dma_wait3A_821 : memref<1x128xf32, #tpu.memory_space<hbm>>) dst(%dma_wait3A_818 : memref<1x128xf32, #tpu.memory_space<vmem>>)
      %mul3A_822 = arith.constant 16 : i32
      %mul3A_823 = arith.muli %sub3A_625, %mul3A_822 : i32
      %add3A_824 = arith.constant 14 : i32
      %add3A_825 = arith.addi %mul3A_823, %add3A_824 : i32
      %dma_wait3A_826 = arith.constant 0 : i32
      %dma_wait3A_827 = tpu.memref_slice %arg6[%add3A_825, %dma_wait3A_826] : memref<512x128xf32, #tpu.memory_space<vmem>> -> memref<1x128xf32, #tpu.memory_space<vmem>>
      %dma_wait3A_828 = arith.constant 0 : i32
      %dma_wait3A_829 = arith.constant 0 : i32
      %dma_wait3A_830 = tpu.memref_slice %arg2[%dma_wait3A_828, %dma_wait3A_829] : memref<524288x128xf32, #tpu.memory_space<hbm>> -> memref<1x128xf32, #tpu.memory_space<hbm>>
      %dma_wait3A_831 = arith.constant 0 : i32
      %dma_wait3A_832 = tpu.memref_slice %arg6[%add3A_825, %dma_wait3A_831] : memref<512x128xf32, #tpu.memory_space<vmem>> -> memref<1x128xf32, #tpu.memory_space<vmem>>
      %dma_wait3A_833 = arith.constant 0 : i32
      %dma_wait3A_834 = arith.constant 0 : i32
      %dma_wait3A_835 = tpu.memref_slice %arg2[%dma_wait3A_833, %dma_wait3A_834] : memref<524288x128xf32, #tpu.memory_space<hbm>> -> memref<1x128xf32, #tpu.memory_space<hbm>>
      tpu.wait_dma2 semaphore(%arg7 : memref<!tpu.dma_semaphore, #tpu.memory_space<semaphore_mem>>) src(%dma_wait3A_835 : memref<1x128xf32, #tpu.memory_space<hbm>>) dst(%dma_wait3A_832 : memref<1x128xf32, #tpu.memory_space<vmem>>)
      %mul3A_836 = arith.constant 16 : i32
      %mul3A_837 = arith.muli %sub3A_625, %mul3A_836 : i32
      %add3A_838 = arith.constant 15 : i32
      %add3A_839 = arith.addi %mul3A_837, %add3A_838 : i32
      %dma_wait3A_840 = arith.constant 0 : i32
      %dma_wait3A_841 = tpu.memref_slice %arg6[%add3A_839, %dma_wait3A_840] : memref<512x128xf32, #tpu.memory_space<vmem>> -> memref<1x128xf32, #tpu.memory_space<vmem>>
      %dma_wait3A_842 = arith.constant 0 : i32
      %dma_wait3A_843 = arith.constant 0 : i32
      %dma_wait3A_844 = tpu.memref_slice %arg2[%dma_wait3A_842, %dma_wait3A_843] : memref<524288x128xf32, #tpu.memory_space<hbm>> -> memref<1x128xf32, #tpu.memory_space<hbm>>
      %dma_wait3A_845 = arith.constant 0 : i32
      %dma_wait3A_846 = tpu.memref_slice %arg6[%add3A_839, %dma_wait3A_845] : memref<512x128xf32, #tpu.memory_space<vmem>> -> memref<1x128xf32, #tpu.memory_space<vmem>>
      %dma_wait3A_847 = arith.constant 0 : i32
      %dma_wait3A_848 = arith.constant 0 : i32
      %dma_wait3A_849 = tpu.memref_slice %arg2[%dma_wait3A_847, %dma_wait3A_848] : memref<524288x128xf32, #tpu.memory_space<hbm>> -> memref<1x128xf32, #tpu.memory_space<hbm>>
      tpu.wait_dma2 semaphore(%arg7 : memref<!tpu.dma_semaphore, #tpu.memory_space<semaphore_mem>>) src(%dma_wait3A_849 : memref<1x128xf32, #tpu.memory_space<hbm>>) dst(%dma_wait3A_846 : memref<1x128xf32, #tpu.memory_space<vmem>>)
    }
    %scan3A_200 = arith.constant 31 : i32
    %dma_wait3A = arith.constant 496 : i32
    %dma_wait3A_201 = arith.constant 0 : i32
    %dma_wait3A_202 = tpu.memref_slice %arg6[%dma_wait3A, %dma_wait3A_201] : memref<512x128xf32, #tpu.memory_space<vmem>> -> memref<1x128xf32, #tpu.memory_space<vmem>>
    %dma_wait3A_203 = arith.constant 0 : i32
    %dma_wait3A_204 = arith.constant 0 : i32
    %dma_wait3A_205 = tpu.memref_slice %arg2[%dma_wait3A_203, %dma_wait3A_204] : memref<524288x128xf32, #tpu.memory_space<hbm>> -> memref<1x128xf32, #tpu.memory_space<hbm>>
    %dma_wait3A_206 = arith.constant 496 : i32
    %dma_wait3A_207 = arith.constant 0 : i32
    %dma_wait3A_208 = tpu.memref_slice %arg6[%dma_wait3A_206, %dma_wait3A_207] : memref<512x128xf32, #tpu.memory_space<vmem>> -> memref<1x128xf32, #tpu.memory_space<vmem>>
    %dma_wait3A_209 = arith.constant 0 : i32
    %dma_wait3A_210 = arith.constant 0 : i32
    %dma_wait3A_211 = tpu.memref_slice %arg2[%dma_wait3A_209, %dma_wait3A_210] : memref<524288x128xf32, #tpu.memory_space<hbm>> -> memref<1x128xf32, #tpu.memory_space<hbm>>
    tpu.wait_dma2 semaphore(%arg7 : memref<!tpu.dma_semaphore, #tpu.memory_space<semaphore_mem>>) src(%dma_wait3A_211 : memref<1x128xf32, #tpu.memory_space<hbm>>) dst(%dma_wait3A_208 : memref<1x128xf32, #tpu.memory_space<vmem>>)
    %dma_wait3A_212 = arith.constant 497 : i32
    %dma_wait3A_213 = arith.constant 0 : i32
    %dma_wait3A_214 = tpu.memref_slice %arg6[%dma_wait3A_212, %dma_wait3A_213] : memref<512x128xf32, #tpu.memory_space<vmem>> -> memref<1x128xf32, #tpu.memory_space<vmem>>
    %dma_wait3A_215 = arith.constant 0 : i32
    %dma_wait3A_216 = arith.constant 0 : i32
    %dma_wait3A_217 = tpu.memref_slice %arg2[%dma_wait3A_215, %dma_wait3A_216] : memref<524288x128xf32, #tpu.memory_space<hbm>> -> memref<1x128xf32, #tpu.memory_space<hbm>>
    %dma_wait3A_218 = arith.constant 497 : i32
    %dma_wait3A_219 = arith.constant 0 : i32
    %dma_wait3A_220 = tpu.memref_slice %arg6[%dma_wait3A_218, %dma_wait3A_219] : memref<512x128xf32, #tpu.memory_space<vmem>> -> memref<1x128xf32, #tpu.memory_space<vmem>>
    %dma_wait3A_221 = arith.constant 0 : i32
    %dma_wait3A_222 = arith.constant 0 : i32
    %dma_wait3A_223 = tpu.memref_slice %arg2[%dma_wait3A_221, %dma_wait3A_222] : memref<524288x128xf32, #tpu.memory_space<hbm>> -> memref<1x128xf32, #tpu.memory_space<hbm>>
    tpu.wait_dma2 semaphore(%arg7 : memref<!tpu.dma_semaphore, #tpu.memory_space<semaphore_mem>>) src(%dma_wait3A_223 : memref<1x128xf32, #tpu.memory_space<hbm>>) dst(%dma_wait3A_220 : memref<1x128xf32, #tpu.memory_space<vmem>>)
    %dma_wait3A_224 = arith.constant 498 : i32
    %dma_wait3A_225 = arith.constant 0 : i32
    %dma_wait3A_226 = tpu.memref_slice %arg6[%dma_wait3A_224, %dma_wait3A_225] : memref<512x128xf32, #tpu.memory_space<vmem>> -> memref<1x128xf32, #tpu.memory_space<vmem>>
    %dma_wait3A_227 = arith.constant 0 : i32
    %dma_wait3A_228 = arith.constant 0 : i32
    %dma_wait3A_229 = tpu.memref_slice %arg2[%dma_wait3A_227, %dma_wait3A_228] : memref<524288x128xf32, #tpu.memory_space<hbm>> -> memref<1x128xf32, #tpu.memory_space<hbm>>
    %dma_wait3A_230 = arith.constant 498 : i32
    %dma_wait3A_231 = arith.constant 0 : i32
    %dma_wait3A_232 = tpu.memref_slice %arg6[%dma_wait3A_230, %dma_wait3A_231] : memref<512x128xf32, #tpu.memory_space<vmem>> -> memref<1x128xf32, #tpu.memory_space<vmem>>
    %dma_wait3A_233 = arith.constant 0 : i32
    %dma_wait3A_234 = arith.constant 0 : i32
    %dma_wait3A_235 = tpu.memref_slice %arg2[%dma_wait3A_233, %dma_wait3A_234] : memref<524288x128xf32, #tpu.memory_space<hbm>> -> memref<1x128xf32, #tpu.memory_space<hbm>>
    tpu.wait_dma2 semaphore(%arg7 : memref<!tpu.dma_semaphore, #tpu.memory_space<semaphore_mem>>) src(%dma_wait3A_235 : memref<1x128xf32, #tpu.memory_space<hbm>>) dst(%dma_wait3A_232 : memref<1x128xf32, #tpu.memory_space<vmem>>)
    %dma_wait3A_236 = arith.constant 499 : i32
    %dma_wait3A_237 = arith.constant 0 : i32
    %dma_wait3A_238 = tpu.memref_slice %arg6[%dma_wait3A_236, %dma_wait3A_237] : memref<512x128xf32, #tpu.memory_space<vmem>> -> memref<1x128xf32, #tpu.memory_space<vmem>>
    %dma_wait3A_239 = arith.constant 0 : i32
    %dma_wait3A_240 = arith.constant 0 : i32
    %dma_wait3A_241 = tpu.memref_slice %arg2[%dma_wait3A_239, %dma_wait3A_240] : memref<524288x128xf32, #tpu.memory_space<hbm>> -> memref<1x128xf32, #tpu.memory_space<hbm>>
    %dma_wait3A_242 = arith.constant 499 : i32
    %dma_wait3A_243 = arith.constant 0 : i32
    %dma_wait3A_244 = tpu.memref_slice %arg6[%dma_wait3A_242, %dma_wait3A_243] : memref<512x128xf32, #tpu.memory_space<vmem>> -> memref<1x128xf32, #tpu.memory_space<vmem>>
    %dma_wait3A_245 = arith.constant 0 : i32
    %dma_wait3A_246 = arith.constant 0 : i32
    %dma_wait3A_247 = tpu.memref_slice %arg2[%dma_wait3A_245, %dma_wait3A_246] : memref<524288x128xf32, #tpu.memory_space<hbm>> -> memref<1x128xf32, #tpu.memory_space<hbm>>
    tpu.wait_dma2 semaphore(%arg7 : memref<!tpu.dma_semaphore, #tpu.memory_space<semaphore_mem>>) src(%dma_wait3A_247 : memref<1x128xf32, #tpu.memory_space<hbm>>) dst(%dma_wait3A_244 : memref<1x128xf32, #tpu.memory_space<vmem>>)
    %dma_wait3A_248 = arith.constant 500 : i32
    %dma_wait3A_249 = arith.constant 0 : i32
    %dma_wait3A_250 = tpu.memref_slice %arg6[%dma_wait3A_248, %dma_wait3A_249] : memref<512x128xf32, #tpu.memory_space<vmem>> -> memref<1x128xf32, #tpu.memory_space<vmem>>
    %dma_wait3A_251 = arith.constant 0 : i32
    %dma_wait3A_252 = arith.constant 0 : i32
    %dma_wait3A_253 = tpu.memref_slice %arg2[%dma_wait3A_251, %dma_wait3A_252] : memref<524288x128xf32, #tpu.memory_space<hbm>> -> memref<1x128xf32, #tpu.memory_space<hbm>>
    %dma_wait3A_254 = arith.constant 500 : i32
    %dma_wait3A_255 = arith.constant 0 : i32
    %dma_wait3A_256 = tpu.memref_slice %arg6[%dma_wait3A_254, %dma_wait3A_255] : memref<512x128xf32, #tpu.memory_space<vmem>> -> memref<1x128xf32, #tpu.memory_space<vmem>>
    %dma_wait3A_257 = arith.constant 0 : i32
    %dma_wait3A_258 = arith.constant 0 : i32
    %dma_wait3A_259 = tpu.memref_slice %arg2[%dma_wait3A_257, %dma_wait3A_258] : memref<524288x128xf32, #tpu.memory_space<hbm>> -> memref<1x128xf32, #tpu.memory_space<hbm>>
    tpu.wait_dma2 semaphore(%arg7 : memref<!tpu.dma_semaphore, #tpu.memory_space<semaphore_mem>>) src(%dma_wait3A_259 : memref<1x128xf32, #tpu.memory_space<hbm>>) dst(%dma_wait3A_256 : memref<1x128xf32, #tpu.memory_space<vmem>>)
    %dma_wait3A_260 = arith.constant 501 : i32
    %dma_wait3A_261 = arith.constant 0 : i32
    %dma_wait3A_262 = tpu.memref_slice %arg6[%dma_wait3A_260, %dma_wait3A_261] : memref<512x128xf32, #tpu.memory_space<vmem>> -> memref<1x128xf32, #tpu.memory_space<vmem>>
    %dma_wait3A_263 = arith.constant 0 : i32
    %dma_wait3A_264 = arith.constant 0 : i32
    %dma_wait3A_265 = tpu.memref_slice %arg2[%dma_wait3A_263, %dma_wait3A_264] : memref<524288x128xf32, #tpu.memory_space<hbm>> -> memref<1x128xf32, #tpu.memory_space<hbm>>
    %dma_wait3A_266 = arith.constant 501 : i32
    %dma_wait3A_267 = arith.constant 0 : i32
    %dma_wait3A_268 = tpu.memref_slice %arg6[%dma_wait3A_266, %dma_wait3A_267] : memref<512x128xf32, #tpu.memory_space<vmem>> -> memref<1x128xf32, #tpu.memory_space<vmem>>
    %dma_wait3A_269 = arith.constant 0 : i32
    %dma_wait3A_270 = arith.constant 0 : i32
    %dma_wait3A_271 = tpu.memref_slice %arg2[%dma_wait3A_269, %dma_wait3A_270] : memref<524288x128xf32, #tpu.memory_space<hbm>> -> memref<1x128xf32, #tpu.memory_space<hbm>>
    tpu.wait_dma2 semaphore(%arg7 : memref<!tpu.dma_semaphore, #tpu.memory_space<semaphore_mem>>) src(%dma_wait3A_271 : memref<1x128xf32, #tpu.memory_space<hbm>>) dst(%dma_wait3A_268 : memref<1x128xf32, #tpu.memory_space<vmem>>)
    %dma_wait3A_272 = arith.constant 502 : i32
    %dma_wait3A_273 = arith.constant 0 : i32
    %dma_wait3A_274 = tpu.memref_slice %arg6[%dma_wait3A_272, %dma_wait3A_273] : memref<512x128xf32, #tpu.memory_space<vmem>> -> memref<1x128xf32, #tpu.memory_space<vmem>>
    %dma_wait3A_275 = arith.constant 0 : i32
    %dma_wait3A_276 = arith.constant 0 : i32
    %dma_wait3A_277 = tpu.memref_slice %arg2[%dma_wait3A_275, %dma_wait3A_276] : memref<524288x128xf32, #tpu.memory_space<hbm>> -> memref<1x128xf32, #tpu.memory_space<hbm>>
    %dma_wait3A_278 = arith.constant 502 : i32
    %dma_wait3A_279 = arith.constant 0 : i32
    %dma_wait3A_280 = tpu.memref_slice %arg6[%dma_wait3A_278, %dma_wait3A_279] : memref<512x128xf32, #tpu.memory_space<vmem>> -> memref<1x128xf32, #tpu.memory_space<vmem>>
    %dma_wait3A_281 = arith.constant 0 : i32
    %dma_wait3A_282 = arith.constant 0 : i32
    %dma_wait3A_283 = tpu.memref_slice %arg2[%dma_wait3A_281, %dma_wait3A_282] : memref<524288x128xf32, #tpu.memory_space<hbm>> -> memref<1x128xf32, #tpu.memory_space<hbm>>
    tpu.wait_dma2 semaphore(%arg7 : memref<!tpu.dma_semaphore, #tpu.memory_space<semaphore_mem>>) src(%dma_wait3A_283 : memref<1x128xf32, #tpu.memory_space<hbm>>) dst(%dma_wait3A_280 : memref<1x128xf32, #tpu.memory_space<vmem>>)
    %dma_wait3A_284 = arith.constant 503 : i32
    %dma_wait3A_285 = arith.constant 0 : i32
    %dma_wait3A_286 = tpu.memref_slice %arg6[%dma_wait3A_284, %dma_wait3A_285] : memref<512x128xf32, #tpu.memory_space<vmem>> -> memref<1x128xf32, #tpu.memory_space<vmem>>
    %dma_wait3A_287 = arith.constant 0 : i32
    %dma_wait3A_288 = arith.constant 0 : i32
    %dma_wait3A_289 = tpu.memref_slice %arg2[%dma_wait3A_287, %dma_wait3A_288] : memref<524288x128xf32, #tpu.memory_space<hbm>> -> memref<1x128xf32, #tpu.memory_space<hbm>>
    %dma_wait3A_290 = arith.constant 503 : i32
    %dma_wait3A_291 = arith.constant 0 : i32
    %dma_wait3A_292 = tpu.memref_slice %arg6[%dma_wait3A_290, %dma_wait3A_291] : memref<512x128xf32, #tpu.memory_space<vmem>> -> memref<1x128xf32, #tpu.memory_space<vmem>>
    %dma_wait3A_293 = arith.constant 0 : i32
    %dma_wait3A_294 = arith.constant 0 : i32
    %dma_wait3A_295 = tpu.memref_slice %arg2[%dma_wait3A_293, %dma_wait3A_294] : memref<524288x128xf32, #tpu.memory_space<hbm>> -> memref<1x128xf32, #tpu.memory_space<hbm>>
    tpu.wait_dma2 semaphore(%arg7 : memref<!tpu.dma_semaphore, #tpu.memory_space<semaphore_mem>>) src(%dma_wait3A_295 : memref<1x128xf32, #tpu.memory_space<hbm>>) dst(%dma_wait3A_292 : memref<1x128xf32, #tpu.memory_space<vmem>>)
    %dma_wait3A_296 = arith.constant 504 : i32
    %dma_wait3A_297 = arith.constant 0 : i32
    %dma_wait3A_298 = tpu.memref_slice %arg6[%dma_wait3A_296, %dma_wait3A_297] : memref<512x128xf32, #tpu.memory_space<vmem>> -> memref<1x128xf32, #tpu.memory_space<vmem>>
    %dma_wait3A_299 = arith.constant 0 : i32
    %dma_wait3A_300 = arith.constant 0 : i32
    %dma_wait3A_301 = tpu.memref_slice %arg2[%dma_wait3A_299, %dma_wait3A_300] : memref<524288x128xf32, #tpu.memory_space<hbm>> -> memref<1x128xf32, #tpu.memory_space<hbm>>
    %dma_wait3A_302 = arith.constant 504 : i32
    %dma_wait3A_303 = arith.constant 0 : i32
    %dma_wait3A_304 = tpu.memref_slice %arg6[%dma_wait3A_302, %dma_wait3A_303] : memref<512x128xf32, #tpu.memory_space<vmem>> -> memref<1x128xf32, #tpu.memory_space<vmem>>
    %dma_wait3A_305 = arith.constant 0 : i32
    %dma_wait3A_306 = arith.constant 0 : i32
    %dma_wait3A_307 = tpu.memref_slice %arg2[%dma_wait3A_305, %dma_wait3A_306] : memref<524288x128xf32, #tpu.memory_space<hbm>> -> memref<1x128xf32, #tpu.memory_space<hbm>>
    tpu.wait_dma2 semaphore(%arg7 : memref<!tpu.dma_semaphore, #tpu.memory_space<semaphore_mem>>) src(%dma_wait3A_307 : memref<1x128xf32, #tpu.memory_space<hbm>>) dst(%dma_wait3A_304 : memref<1x128xf32, #tpu.memory_space<vmem>>)
    %dma_wait3A_308 = arith.constant 505 : i32
    %dma_wait3A_309 = arith.constant 0 : i32
    %dma_wait3A_310 = tpu.memref_slice %arg6[%dma_wait3A_308, %dma_wait3A_309] : memref<512x128xf32, #tpu.memory_space<vmem>> -> memref<1x128xf32, #tpu.memory_space<vmem>>
    %dma_wait3A_311 = arith.constant 0 : i32
    %dma_wait3A_312 = arith.constant 0 : i32
    %dma_wait3A_313 = tpu.memref_slice %arg2[%dma_wait3A_311, %dma_wait3A_312] : memref<524288x128xf32, #tpu.memory_space<hbm>> -> memref<1x128xf32, #tpu.memory_space<hbm>>
    %dma_wait3A_314 = arith.constant 505 : i32
    %dma_wait3A_315 = arith.constant 0 : i32
    %dma_wait3A_316 = tpu.memref_slice %arg6[%dma_wait3A_314, %dma_wait3A_315] : memref<512x128xf32, #tpu.memory_space<vmem>> -> memref<1x128xf32, #tpu.memory_space<vmem>>
    %dma_wait3A_317 = arith.constant 0 : i32
    %dma_wait3A_318 = arith.constant 0 : i32
    %dma_wait3A_319 = tpu.memref_slice %arg2[%dma_wait3A_317, %dma_wait3A_318] : memref<524288x128xf32, #tpu.memory_space<hbm>> -> memref<1x128xf32, #tpu.memory_space<hbm>>
    tpu.wait_dma2 semaphore(%arg7 : memref<!tpu.dma_semaphore, #tpu.memory_space<semaphore_mem>>) src(%dma_wait3A_319 : memref<1x128xf32, #tpu.memory_space<hbm>>) dst(%dma_wait3A_316 : memref<1x128xf32, #tpu.memory_space<vmem>>)
    %dma_wait3A_320 = arith.constant 506 : i32
    %dma_wait3A_321 = arith.constant 0 : i32
    %dma_wait3A_322 = tpu.memref_slice %arg6[%dma_wait3A_320, %dma_wait3A_321] : memref<512x128xf32, #tpu.memory_space<vmem>> -> memref<1x128xf32, #tpu.memory_space<vmem>>
    %dma_wait3A_323 = arith.constant 0 : i32
    %dma_wait3A_324 = arith.constant 0 : i32
    %dma_wait3A_325 = tpu.memref_slice %arg2[%dma_wait3A_323, %dma_wait3A_324] : memref<524288x128xf32, #tpu.memory_space<hbm>> -> memref<1x128xf32, #tpu.memory_space<hbm>>
    %dma_wait3A_326 = arith.constant 506 : i32
    %dma_wait3A_327 = arith.constant 0 : i32
    %dma_wait3A_328 = tpu.memref_slice %arg6[%dma_wait3A_326, %dma_wait3A_327] : memref<512x128xf32, #tpu.memory_space<vmem>> -> memref<1x128xf32, #tpu.memory_space<vmem>>
    %dma_wait3A_329 = arith.constant 0 : i32
    %dma_wait3A_330 = arith.constant 0 : i32
    %dma_wait3A_331 = tpu.memref_slice %arg2[%dma_wait3A_329, %dma_wait3A_330] : memref<524288x128xf32, #tpu.memory_space<hbm>> -> memref<1x128xf32, #tpu.memory_space<hbm>>
    tpu.wait_dma2 semaphore(%arg7 : memref<!tpu.dma_semaphore, #tpu.memory_space<semaphore_mem>>) src(%dma_wait3A_331 : memref<1x128xf32, #tpu.memory_space<hbm>>) dst(%dma_wait3A_328 : memref<1x128xf32, #tpu.memory_space<vmem>>)
    %dma_wait3A_332 = arith.constant 507 : i32
    %dma_wait3A_333 = arith.constant 0 : i32
    %dma_wait3A_334 = tpu.memref_slice %arg6[%dma_wait3A_332, %dma_wait3A_333] : memref<512x128xf32, #tpu.memory_space<vmem>> -> memref<1x128xf32, #tpu.memory_space<vmem>>
    %dma_wait3A_335 = arith.constant 0 : i32
    %dma_wait3A_336 = arith.constant 0 : i32
    %dma_wait3A_337 = tpu.memref_slice %arg2[%dma_wait3A_335, %dma_wait3A_336] : memref<524288x128xf32, #tpu.memory_space<hbm>> -> memref<1x128xf32, #tpu.memory_space<hbm>>
    %dma_wait3A_338 = arith.constant 507 : i32
    %dma_wait3A_339 = arith.constant 0 : i32
    %dma_wait3A_340 = tpu.memref_slice %arg6[%dma_wait3A_338, %dma_wait3A_339] : memref<512x128xf32, #tpu.memory_space<vmem>> -> memref<1x128xf32, #tpu.memory_space<vmem>>
    %dma_wait3A_341 = arith.constant 0 : i32
    %dma_wait3A_342 = arith.constant 0 : i32
    %dma_wait3A_343 = tpu.memref_slice %arg2[%dma_wait3A_341, %dma_wait3A_342] : memref<524288x128xf32, #tpu.memory_space<hbm>> -> memref<1x128xf32, #tpu.memory_space<hbm>>
    tpu.wait_dma2 semaphore(%arg7 : memref<!tpu.dma_semaphore, #tpu.memory_space<semaphore_mem>>) src(%dma_wait3A_343 : memref<1x128xf32, #tpu.memory_space<hbm>>) dst(%dma_wait3A_340 : memref<1x128xf32, #tpu.memory_space<vmem>>)
    %dma_wait3A_344 = arith.constant 508 : i32
    %dma_wait3A_345 = arith.constant 0 : i32
    %dma_wait3A_346 = tpu.memref_slice %arg6[%dma_wait3A_344, %dma_wait3A_345] : memref<512x128xf32, #tpu.memory_space<vmem>> -> memref<1x128xf32, #tpu.memory_space<vmem>>
    %dma_wait3A_347 = arith.constant 0 : i32
    %dma_wait3A_348 = arith.constant 0 : i32
    %dma_wait3A_349 = tpu.memref_slice %arg2[%dma_wait3A_347, %dma_wait3A_348] : memref<524288x128xf32, #tpu.memory_space<hbm>> -> memref<1x128xf32, #tpu.memory_space<hbm>>
    %dma_wait3A_350 = arith.constant 508 : i32
    %dma_wait3A_351 = arith.constant 0 : i32
    %dma_wait3A_352 = tpu.memref_slice %arg6[%dma_wait3A_350, %dma_wait3A_351] : memref<512x128xf32, #tpu.memory_space<vmem>> -> memref<1x128xf32, #tpu.memory_space<vmem>>
    %dma_wait3A_353 = arith.constant 0 : i32
    %dma_wait3A_354 = arith.constant 0 : i32
    %dma_wait3A_355 = tpu.memref_slice %arg2[%dma_wait3A_353, %dma_wait3A_354] : memref<524288x128xf32, #tpu.memory_space<hbm>> -> memref<1x128xf32, #tpu.memory_space<hbm>>
    tpu.wait_dma2 semaphore(%arg7 : memref<!tpu.dma_semaphore, #tpu.memory_space<semaphore_mem>>) src(%dma_wait3A_355 : memref<1x128xf32, #tpu.memory_space<hbm>>) dst(%dma_wait3A_352 : memref<1x128xf32, #tpu.memory_space<vmem>>)
    %dma_wait3A_356 = arith.constant 509 : i32
    %dma_wait3A_357 = arith.constant 0 : i32
    %dma_wait3A_358 = tpu.memref_slice %arg6[%dma_wait3A_356, %dma_wait3A_357] : memref<512x128xf32, #tpu.memory_space<vmem>> -> memref<1x128xf32, #tpu.memory_space<vmem>>
    %dma_wait3A_359 = arith.constant 0 : i32
    %dma_wait3A_360 = arith.constant 0 : i32
    %dma_wait3A_361 = tpu.memref_slice %arg2[%dma_wait3A_359, %dma_wait3A_360] : memref<524288x128xf32, #tpu.memory_space<hbm>> -> memref<1x128xf32, #tpu.memory_space<hbm>>
    %dma_wait3A_362 = arith.constant 509 : i32
    %dma_wait3A_363 = arith.constant 0 : i32
    %dma_wait3A_364 = tpu.memref_slice %arg6[%dma_wait3A_362, %dma_wait3A_363] : memref<512x128xf32, #tpu.memory_space<vmem>> -> memref<1x128xf32, #tpu.memory_space<vmem>>
    %dma_wait3A_365 = arith.constant 0 : i32
    %dma_wait3A_366 = arith.constant 0 : i32
    %dma_wait3A_367 = tpu.memref_slice %arg2[%dma_wait3A_365, %dma_wait3A_366] : memref<524288x128xf32, #tpu.memory_space<hbm>> -> memref<1x128xf32, #tpu.memory_space<hbm>>
    tpu.wait_dma2 semaphore(%arg7 : memref<!tpu.dma_semaphore, #tpu.memory_space<semaphore_mem>>) src(%dma_wait3A_367 : memref<1x128xf32, #tpu.memory_space<hbm>>) dst(%dma_wait3A_364 : memref<1x128xf32, #tpu.memory_space<vmem>>)
    %dma_wait3A_368 = arith.constant 510 : i32
    %dma_wait3A_369 = arith.constant 0 : i32
    %dma_wait3A_370 = tpu.memref_slice %arg6[%dma_wait3A_368, %dma_wait3A_369] : memref<512x128xf32, #tpu.memory_space<vmem>> -> memref<1x128xf32, #tpu.memory_space<vmem>>
    %dma_wait3A_371 = arith.constant 0 : i32
    %dma_wait3A_372 = arith.constant 0 : i32
    %dma_wait3A_373 = tpu.memref_slice %arg2[%dma_wait3A_371, %dma_wait3A_372] : memref<524288x128xf32, #tpu.memory_space<hbm>> -> memref<1x128xf32, #tpu.memory_space<hbm>>
    %dma_wait3A_374 = arith.constant 510 : i32
    %dma_wait3A_375 = arith.constant 0 : i32
    %dma_wait3A_376 = tpu.memref_slice %arg6[%dma_wait3A_374, %dma_wait3A_375] : memref<512x128xf32, #tpu.memory_space<vmem>> -> memref<1x128xf32, #tpu.memory_space<vmem>>
    %dma_wait3A_377 = arith.constant 0 : i32
    %dma_wait3A_378 = arith.constant 0 : i32
    %dma_wait3A_379 = tpu.memref_slice %arg2[%dma_wait3A_377, %dma_wait3A_378] : memref<524288x128xf32, #tpu.memory_space<hbm>> -> memref<1x128xf32, #tpu.memory_space<hbm>>
    tpu.wait_dma2 semaphore(%arg7 : memref<!tpu.dma_semaphore, #tpu.memory_space<semaphore_mem>>) src(%dma_wait3A_379 : memref<1x128xf32, #tpu.memory_space<hbm>>) dst(%dma_wait3A_376 : memref<1x128xf32, #tpu.memory_space<vmem>>)
    %dma_wait3A_380 = arith.constant 511 : i32
    %dma_wait3A_381 = arith.constant 0 : i32
    %dma_wait3A_382 = tpu.memref_slice %arg6[%dma_wait3A_380, %dma_wait3A_381] : memref<512x128xf32, #tpu.memory_space<vmem>> -> memref<1x128xf32, #tpu.memory_space<vmem>>
    %dma_wait3A_383 = arith.constant 0 : i32
    %dma_wait3A_384 = arith.constant 0 : i32
    %dma_wait3A_385 = tpu.memref_slice %arg2[%dma_wait3A_383, %dma_wait3A_384] : memref<524288x128xf32, #tpu.memory_space<hbm>> -> memref<1x128xf32, #tpu.memory_space<hbm>>
    %dma_wait3A_386 = arith.constant 511 : i32
    %dma_wait3A_387 = arith.constant 0 : i32
    %dma_wait3A_388 = tpu.memref_slice %arg6[%dma_wait3A_386, %dma_wait3A_387] : memref<512x128xf32, #tpu.memory_space<vmem>> -> memref<1x128xf32, #tpu.memory_space<vmem>>
    %dma_wait3A_389 = arith.constant 0 : i32
    %dma_wait3A_390 = arith.constant 0 : i32
    %dma_wait3A_391 = tpu.memref_slice %arg2[%dma_wait3A_389, %dma_wait3A_390] : memref<524288x128xf32, #tpu.memory_space<hbm>> -> memref<1x128xf32, #tpu.memory_space<hbm>>
    tpu.wait_dma2 semaphore(%arg7 : memref<!tpu.dma_semaphore, #tpu.memory_space<semaphore_mem>>) src(%dma_wait3A_391 : memref<1x128xf32, #tpu.memory_space<hbm>>) dst(%dma_wait3A_388 : memref<1x128xf32, #tpu.memory_space<vmem>>)
    "tpu.region"() ({
      %run_scoped3A = tpu.sem_alloc : memref<!tpu.dma_semaphore, #tpu.memory_space<semaphore_mem>>
      %dma_start3A_392 = arith.constant 0 : i32
      %dma_start3A_393 = tpu.memref_slice %arg4[%mul3A_2, %dma_start3A_392] : memref<16384x128xf32, #tpu.memory_space<hbm>> -> memref<512x128xf32, #tpu.memory_space<hbm>>
      %dma_start3A_394 = arith.constant 0 : i32
      %dma_start3A_395 = tpu.memref_slice %arg4[%mul3A_2, %dma_start3A_394] : memref<16384x128xf32, #tpu.memory_space<hbm>> -> memref<512x128xf32, #tpu.memory_space<hbm>>
      tpu.enqueue_dma source(%arg6 : memref<512x128xf32, #tpu.memory_space<vmem>>) target(%dma_start3A_395 : memref<512x128xf32, #tpu.memory_space<hbm>>) target_semaphore(%run_scoped3A : memref<!tpu.dma_semaphore, #tpu.memory_space<semaphore_mem>>)
      %dma_wait3A_396 = arith.constant 0 : i32
      %dma_wait3A_397 = tpu.memref_slice %arg4[%mul3A_2, %dma_wait3A_396] : memref<16384x128xf32, #tpu.memory_space<hbm>> -> memref<512x128xf32, #tpu.memory_space<hbm>>
      %dma_wait3A_398 = arith.constant 0 : i32
      %dma_wait3A_399 = tpu.memref_slice %arg4[%mul3A_2, %dma_wait3A_398] : memref<16384x128xf32, #tpu.memory_space<hbm>> -> memref<512x128xf32, #tpu.memory_space<hbm>>
      tpu.wait_dma2 semaphore(%run_scoped3A : memref<!tpu.dma_semaphore, #tpu.memory_space<semaphore_mem>>) src(%arg6 : memref<512x128xf32, #tpu.memory_space<vmem>>) dst(%dma_wait3A_399 : memref<512x128xf32, #tpu.memory_space<hbm>>)
      tpu.yield
    }) : () -> ()
    return
  }
}

module attributes {stable_mosaic.version = 14 : i64} {
  func.func @_tr_body(%arg0: i32, %arg1: memref<64x16384xf32, #tpu.memory_space<vmem>>, %arg2: memref<64x16384xf32, #tpu.memory_space<vmem>>, %arg3: memref<16384x128xf32, #tpu.memory_space<vmem>>) attributes {dimension_semantics = [#tpu.dimension_semantics<arbitrary>], iteration_bounds = array<i64: 32>, scalar_prefetch = 0 : i64, scratch_operands = 0 : i64, tpu.core_type = #tpu.core_type<tc>, window_params = [{transform_indices = @transform_0, window_bounds = array<i64: 64, 16384>}, {transform_indices = @transform_1, window_bounds = array<i64: 64, 16384>}, {transform_indices = @transform_2, window_bounds = array<i64: 16384, 128>}]} {
    %get3A = arith.constant 0 : index
    %get3A_0 = arith.constant 0 : index
    %get3A_1 = vector.load %arg1[%get3A, %get3A_0] : memref<64x16384xf32, #tpu.memory_space<vmem>>, vector<64x16384xf32>
    %transpose3A = tpu.transpose %get3A_1, [1, 0] : vector<64x16384xf32> -> vector<16384x64xf32>
    %get3A_2 = arith.constant 0 : index
    %get3A_3 = arith.constant 0 : index
    %get3A_4 = vector.load %arg2[%get3A_2, %get3A_3] : memref<64x16384xf32, #tpu.memory_space<vmem>>, vector<64x16384xf32>
    %transpose3A_5 = tpu.transpose %get3A_4, [1, 0] : vector<64x16384xf32> -> vector<16384x64xf32>
    %concatenate3A = tpu.concatenate %transpose3A, %transpose3A_5 in 1 : vector<16384x64xf32>, vector<16384x64xf32> -> vector<16384x128xf32>
    %swap3A = arith.constant 0 : index
    %swap3A_6 = arith.constant 0 : index
    %swap3A_7 = vector.load %arg3[%swap3A, %swap3A_6] : memref<16384x128xf32, #tpu.memory_space<vmem>>, vector<16384x128xf32>
    tpu.vector_store %arg3[%swap3A, %swap3A_6], %concatenate3A {strides = array<i32>} : memref<16384x128xf32, #tpu.memory_space<vmem>>, vector<16384x128xf32>,
    return
  }
  func.func @transform_0(%arg0: i32) -> (i32, i32) {
    %c0_i32 = arith.constant 0 : i32
    %c0_i32_0 = arith.constant 0 : i32
    return %c0_i32, %arg0 : i32, i32
  }
  func.func @transform_1(%arg0: i32) -> (i32, i32) {
    %add3A = arith.constant 32 : i32
    %add3A_0 = arith.addi %add3A, %arg0 : i32
    %min3A = arith.constant 61 : i32
    %min3A_1 = arith.minsi %add3A_0, %min3A : i32
    %c0_i32 = arith.constant 0 : i32
    %c0_i32_2 = arith.constant 0 : i32
    return %c0_i32, %min3A_1 : i32, i32
  }
  func.func @transform_2(%arg0: i32) -> (i32, i32) {
    %c0_i32 = arith.constant 0 : i32
    %c0_i32_0 = arith.constant 0 : i32
    return %arg0, %c0_i32 : i32, i32
  }
}

module attributes {stable_mosaic.version = 14 : i64} {
  func.func @_loss_body(%arg0: i32, %arg1: memref<64x2048xf32, #tpu.memory_space<vmem>>, %arg2: memref<2048x128xf32, #tpu.memory_space<vmem>>, %arg3: memref<1x1x2048xf32, #tpu.memory_space<vmem>>, %arg4: memref<1x1xf32, #tpu.memory_space<smem>>, %arg5: memref<1x1xf32, #tpu.memory_space<smem>>) attributes {dimension_semantics = [#tpu.dimension_semantics<arbitrary>], iteration_bounds = array<i64: 8>, scalar_prefetch = 0 : i64, scratch_operands = 1 : i64, tpu.core_type = #tpu.core_type<tc>, window_params = [{transform_indices = @transform_0, window_bounds = array<i64: 64, 2048>}, {transform_indices = @transform_1, window_bounds = array<i64: 2048, 128>}, {transform_indices = @transform_2, window_bounds = array<i64: 1, 1, 2048>}, {transform_indices = @transform_3, window_bounds = array<i64: 1, 1>}]} {
    %get3A = arith.constant 0 : index
    %get3A_0 = arith.constant 0 : index
    %get3A_1 = vector.load %arg1[%get3A, %get3A_0] : memref<64x2048xf32, #tpu.memory_space<vmem>>, vector<64x2048xf32>
    %get3A_2 = arith.constant 0 : index
    %get3A_3 = arith.constant 0 : index
    %get3A_4 = vector.load %arg2[%get3A_2, %get3A_3] : memref<2048x128xf32, #tpu.memory_space<vmem>>, vector<2048x128xf32>
    %transpose3A = tpu.transpose %get3A_4, [1, 0] : vector<2048x128xf32> -> vector<128x2048xf32>
    %get3A_5 = arith.constant 0 : index
    %get3A_6 = arith.constant 0 : index
    %get3A_7 = arith.constant 0 : index
    %get3A_8 = vector.load %arg3[%get3A_5, %get3A_6, %get3A_7] : memref<1x1x2048xf32, #tpu.memory_space<vmem>>, vector<1x1x2048xf32>
    %get3A_9 = vector.shape_cast %get3A_8 : vector<1x1x2048xf32> to vector<1x2048xf32>
    %slice3A = vector.extract_strided_slice %transpose3A {offsets = [0, 0], sizes = [64, 2048], strides = [1, 1]} : vector<128x2048xf32> to vector<64x2048xf32>
    %slice3A_10 = vector.extract_strided_slice %transpose3A {offsets = [64, 0], sizes = [64, 2048], strides = [1, 1]} : vector<128x2048xf32> to vector<64x2048xf32>
    %sub3A = arith.subf %slice3A_10, %slice3A : vector<64x2048xf32>
    %mul3A = vector.broadcast %get3A_9 : vector<1x2048xf32> to vector<64x2048xf32>
    %mul3A_11 = arith.mulf %mul3A, %sub3A : vector<64x2048xf32>
    %add3A = arith.addf %slice3A, %mul3A_11 : vector<64x2048xf32>
    %mul3A_12 = arith.mulf %add3A, %add3A : vector<64x2048xf32>
    %reduce_sum3A = arith.constant dense<0.000000e+00> : vector<2048xf32>
    %reduce_sum3A_13 = vector.multi_reduction <add>, %mul3A_12, %reduce_sum3A [0] : vector<64x2048xf32> to vector<2048xf32>
    %broadcast_in_dim3A = vector.shape_cast %reduce_sum3A_13 : vector<2048xf32> to vector<1x2048xf32>
    %sqrt3A = math.sqrt %broadcast_in_dim3A : vector<1x2048xf32>
    %max3A = arith.constant 9.99999996E-13 : f32
    %max3A_14 = vector.broadcast %max3A : f32 to vector<1x2048xf32>
    %max3A_15 = arith.maximumf %sqrt3A, %max3A_14 : vector<1x2048xf32>
    %div3A = vector.broadcast %max3A_15 : vector<1x2048xf32> to vector<64x2048xf32>
    %div3A_16 = arith.divf %add3A, %div3A : vector<64x2048xf32>
    %mul3A_17 = arith.mulf %get3A_1, %get3A_1 : vector<64x2048xf32>
    %reduce_sum3A_18 = arith.constant dense<0.000000e+00> : vector<2048xf32>
    %reduce_sum3A_19 = vector.multi_reduction <add>, %mul3A_17, %reduce_sum3A_18 [0] : vector<64x2048xf32> to vector<2048xf32>
    %broadcast_in_dim3A_20 = vector.shape_cast %reduce_sum3A_19 : vector<2048xf32> to vector<1x2048xf32>
    %sqrt3A_21 = math.sqrt %broadcast_in_dim3A_20 : vector<1x2048xf32>
    %max3A_22 = arith.constant 9.99999996E-13 : f32
    %max3A_23 = vector.broadcast %max3A_22 : f32 to vector<1x2048xf32>
    %max3A_24 = arith.maximumf %sqrt3A_21, %max3A_23 : vector<1x2048xf32>
    %div3A_25 = vector.broadcast %max3A_24 : vector<1x2048xf32> to vector<64x2048xf32>
    %div3A_26 = arith.divf %get3A_1, %div3A_25 : vector<64x2048xf32>
    %sub3A_27 = arith.subf %div3A_26, %div3A_16 : vector<64x2048xf32>
    %mul3A_28 = arith.mulf %sub3A_27, %sub3A_27 : vector<64x2048xf32>
    %reduce_sum3A_29 = vector.shape_cast %mul3A_28 : vector<64x2048xf32> to vector<1x64x2048xf32>
    %reduce_sum3A_30 = arith.constant dense<0.000000e+00> : vector<1xf32>
    %reduce_sum3A_31 = vector.multi_reduction <add>, %reduce_sum3A_29, %reduce_sum3A_30 [1, 2] : vector<1x64x2048xf32> to vector<1xf32>
    %reduce_sum3A_32 = vector.shape_cast %reduce_sum3A_31 : vector<1xf32> to vector<1x1x1xf32>
    %reduce_sum3A_33 = vector.extract %reduce_sum3A_32[0, 0, 0] : f32 from vector<1x1x1xf32>
    %eq3A = arith.constant 0 : i32
    %eq3A_34 = arith.cmpi eq, %arg0, %eq3A : i32
    %convert_element_type3A = arith.extui %eq3A_34 : i1 to i32
    %cond3A = arith.constant 0 : i32
    %cond3A_35 = arith.cmpi ne, %convert_element_type3A, %cond3A : i32
    scf.if %cond3A_35 {
      %swap3A_47 = arith.constant 0.000000e+00 : f32
      %swap3A_48 = arith.constant 0 : index
      %swap3A_49 = arith.constant 0 : index
      %swap3A_50 = memref.load %arg5[%swap3A_48, %swap3A_49] : memref<1x1xf32, #tpu.memory_space<smem>>
      memref.store %swap3A_47, %arg5[%swap3A_48, %swap3A_49] : memref<1x1xf32, #tpu.memory_space<smem>>
    } else {
    }
    %get3A_36 = arith.constant 0 : index
    %get3A_37 = arith.constant 0 : index
    %get3A_38 = memref.load %arg5[%get3A_36, %get3A_37] : memref<1x1xf32, #tpu.memory_space<smem>>
    %add3A_39 = arith.addf %get3A_38, %reduce_sum3A_33 : f32
    %swap3A = arith.constant 0 : index
    %swap3A_40 = arith.constant 0 : index
    %swap3A_41 = memref.load %arg5[%swap3A, %swap3A_40] : memref<1x1xf32, #tpu.memory_space<smem>>
    memref.store %add3A_39, %arg5[%swap3A, %swap3A_40] : memref<1x1xf32, #tpu.memory_space<smem>>
    %eq3A_42 = arith.constant 7 : i32
    %eq3A_43 = arith.cmpi eq, %arg0, %eq3A_42 : i32
    %convert_element_type3A_44 = arith.extui %eq3A_43 : i1 to i32
    %cond3A_45 = arith.constant 0 : i32
    %cond3A_46 = arith.cmpi ne, %convert_element_type3A_44, %cond3A_45 : i32
    scf.if %cond3A_46 {
      %get3A_47 = arith.constant 0 : index
      %get3A_48 = arith.constant 0 : index
      %get3A_49 = memref.load %arg5[%get3A_47, %get3A_48] : memref<1x1xf32, #tpu.memory_space<smem>>
      %swap3A_50 = arith.constant 0 : index
      %swap3A_51 = arith.constant 0 : index
      %swap3A_52 = memref.load %arg4[%swap3A_50, %swap3A_51] : memref<1x1xf32, #tpu.memory_space<smem>>
      memref.store %get3A_49, %arg4[%swap3A_50, %swap3A_51] : memref<1x1xf32, #tpu.memory_space<smem>>
    } else {
    }
    return
  }
  func.func @transform_0(%arg0: i32) -> (i32, i32) {
    %c0_i32 = arith.constant 0 : i32
    %c0_i32_0 = arith.constant 0 : i32
    return %c0_i32, %arg0 : i32, i32
  }
  func.func @transform_1(%arg0: i32) -> (i32, i32) {
    %c0_i32 = arith.constant 0 : i32
    %c0_i32_0 = arith.constant 0 : i32
    return %arg0, %c0_i32 : i32, i32
  }
  func.func @transform_2(%arg0: i32) -> (i32, i32, i32) {
    %c0_i32 = arith.constant 0 : i32
    %c0_i32_0 = arith.constant 0 : i32
    %c0_i32_1 = arith.constant 0 : i32
    return %arg0, %c0_i32, %c0_i32_0 : i32, i32, i32
  }
  func.func @transform_3(%arg0: i32) -> (i32, i32) {
    %c0_i32 = arith.constant 0 : i32
    %c0_i32_0 = arith.constant 0 : i32
    %c0_i32_1 = arith.constant 0 : i32
    return %c0_i32, %c0_i32_0 : i32, i32
  }
}

</mosaic_0001>

<sc_bundles>
// kernel: kernel.5.cloned.1.call-start
scs
__scs_entry_jumppad:
0x0: {  	(pc) =	sbr.rel $0x88, $3  }
0x1: {  	(tag) =	ssettag $0x0;
	lr =	simm.s32 $0x1  }
0x2: {  	[smem:$0x3F9E] =	sst lr;
	_ =	strace $0xD0000000  }
0x3: {  	_ = 	snop  }
0x4: {  	_ = 	snop  }
0x5: {  	_ = 	snop  }
0x6: {  	_ = 	snop  }
0x7: {  	_ = 	snop  }
__scs_overlays_trampoline_lowered:
0x8: {  	[smem:$0x3FAD] =	sst s0  }
0x9: {  	[smem:$0x3FAE] =	sst s1  }
0xa: {  	[smem:$0x3FAF] =	sst s2  }
0xb: {  	[smem:$0x3FB0] =	sst s3  }
0xc: {  	[smem:$0x3FB1] =	sst s4  }
0xd: {  	[smem:$0x3FB2] =	sst s5  }
0xe: {  	[smem:$0x3FB3] =	sst s6  }
0xf: {  	[smem:$0x3FB4] =	sst s7  }
0x10: {  	[smem:$0x3FB5] =	sst s8  }
0x11: {  	[smem:$0x3FB6] =	sst s9;
	s0 =	simm.s32 @!p0 $0x0  }
0x12: {  	s1 =	sld [smem:$0x3F9C];
	s0 =	simm.s32 @p0 $0x1  }
0x13: {  	[smem:$0x3FB7] =	sst s0;
	s0 =	simm.s32 @!p1 $0x0  }
0x14: {  	s2 =	sld [smem:$0x3F9B];
	s0 =	simm.s32 @p1 $0x1  }
0x15: {  	[smem:$0x3FB8] =	sst s0;
	s0 =	simm.s32 @!p2 $0x0  }
0x16: {  	s3 =	sld [smem:$0x3FDB];
	s0 =	simm.s32 @p2 $0x1  }
0x17: {  	s4 =	simm.s32 $0x1BF5;
	[smem:$0x3FBA] =	sst s0  }
0x18: {  	s0 =	sld [smem:$0x3F9D];
	_ =	swait.ge [sflag:s4], $0x0  }
0x19: {  	s7 =	sld [smem:$0x3F9E]  }
0x1a: {  	s8 =	sadd.s32 $0xFFFFE003, lr  }
0x1b: {  	s9 =	sadd.s32 $0xFFFFFEF7, lr;
	s5 =	simm.s32 $0xFFFFFFFF;
	p2 =	slt.u32 s8, $0xFFFFF086  }
0x1c: {  	p1 =	slt.u32 s9, $0xF7A;
	s5 =	simm.s32 @!p2 $0x0  }
0x1d: {  	s5 =	simm.s32 @p1 $0x1;
	p0 =	seq.s32 s7, s2  }
0x1e: {  	s7 =	smul.u32 @!p0 $0xF7A, s2;
	p2 =	seq.s32 @!p0 s5, $0x0  }
0x1f: {  	s9 =	smul.u32 $0xF7A, s1;
	s8 =	simm.s32 @!p0 $0x1BF5;
	p2 =	por !p2, p0  }
0x20: {  	[sflag:s8] =	ssyncset.s32 @!p0 $0xFFFFF086;
	s6 =	sadd.s32 @!p0 s3, s7;
	s7 =	simm.s32 @!p0 $0x108  }
0x21: {  	s3 =	sadd.s32 s3, s9;
	s6 =	sadd.s32 @!p0 $0x88, s6;
	s7 =	simm.s32 @p2 $0x1082  }
0x22: {  	[simem:s7], [sflag:s8] =	dma.local @!p0 [hbm:s6], $0xF7A  }
0x23: {  	s9 =	sor.u32 $0xD0000000, s2;
	s6 =	simm.s32 $0x108;
	_ =	swait.ge @!p0 [sflag:s8], $0x0  }
0x24: {  	s3 =	sadd.s32 $0x88, s3;
	s6 =	simm.s32 @!p1 $0x1082;
	[sflag:s4] =	ssyncset.s32 $0xFFFFF086  }
0x25: {  	[simem:s6], [sflag:s4] =	dma.local [hbm:s3], $0xF7A  }
0x26: {  	[smem:$0x3F9E] =	sst s1;
	(tag) =	ssettag s2;
	_ =	strace s9  }
0x27: {  	s1 =	sld [smem:$0x3FAE]  }
0x28: {  	s2 =	sld [smem:$0x3FAF]  }
0x29: {  	s4 =	sld [smem:$0x3FB1]  }
0x2a: {  	p0 =	seq.s32 s5, $0x0;
	s5 =	sld [smem:$0x3FB2]  }
0x2b: {  	s6 =	sld [smem:$0x3FB3]  }
0x2c: {  	s7 =	sld [smem:$0x3FB4]  }
0x2d: {  	s3 =	simm.s32 $0x108;
	s8 =	sld [smem:$0x3FB5]  }
0x2e: {  	s3 =	simm.s32 @!p0 $0x1082;
	s9 =	sld [smem:$0x3FB6]  }
0x2f: {  	lr =	sadd.s32 s0, s3;
	s0 =	sld [smem:$0x3FAD]  }
0x30: {  	s3 =	sld [smem:$0x3FB0]  }
0x31: {  	[smem:$0x3FB9] =	sst s10  }
0x32: {  	s10 =	sld [smem:$0x3FB7];
	_ =	sdelay $0x3  }
0x33: {  	p0 =	seq.s32 s10, $0x1;
	s10 =	sld [smem:$0x3FB9];
	_ =	sdelay $0x3  }
0x34: {  	[smem:$0x3FB9] =	sst s10  }
0x35: {  	s10 =	sld [smem:$0x3FB8];
	_ =	sdelay $0x3  }
0x36: {  	p1 =	seq.s32 s10, $0x1;
	s10 =	sld [smem:$0x3FB9];
	_ =	sdelay $0x3  }
0x37: {  	[smem:$0x3FB9] =	sst s10  }
0x38: {  	s10 =	sld [smem:$0x3FBA]  }
0x39: {  	_ = 	snop;
	(pc) =	sbr.ind lr, $3  }
0x3a: {  	_ = 	snop  }
0x3b: {  	_ = 	snop  }
0x3c: {  	p2 =	seq.s32 s10, $0x1;
	s10 =	sld [smem:$0x3FB9]  }
0x3d: {  	_ =	shalt  }
0x3e: {  	_ =	shalt  }
0x3f: {  	_ =	shalt  }
0x40: {  	_ =	shalt  }
0x41: {  	_ =	shalt  }
0x42: {  	_ =	shalt  }
0x43: {  	_ =	shalt  }
0x44: {  	_ =	shalt  }
0x45: {  	_ =	shalt  }
0x46: {  	_ =	shalt  }
0x47: {  	_ =	shalt  }
0x48: {  	_ =	shalt  }
0x49: {  	_ =	shalt  }
0x4a: {  	_ =	shalt  }
0x4b: {  	_ =	shalt  }
0x4c: {  	_ =	shalt  }
0x4d: {  	_ =	shalt  }
0x4e: {  	_ =	shalt  }
0x4f: {  	_ =	shalt  }
0x50: {  	_ =	shalt  }
0x51: {  	_ =	shalt  }
0x52: {  	_ =	shalt  }
0x53: {  	_ =	shalt  }
0x54: {  	_ =	shalt  }
0x55: {  	_ =	shalt  }
0x56: {  	_ =	shalt  }
0x57: {  	_ =	shalt  }
0x58: {  	_ =	shalt  }
0x59: {  	_ =	shalt  }
0x5a: {  	_ =	shalt  }
0x5b: {  	_ =	shalt  }
0x5c: {  	_ =	shalt  }
0x5d: {  	_ =	shalt  }
0x5e: {  	_ =	shalt  }
0x5f: {  	_ =	shalt  }
0x60: {  	_ =	shalt  }
0x61: {  	_ =	shalt  }
0x62: {  	_ =	shalt  }
0x63: {  	_ =	shalt  }
0x64: {  	_ =	shalt  }
0x65: {  	_ =	shalt  }
0x66: {  	_ =	shalt  }
0x67: {  	_ =	shalt  }
0x68: {  	_ =	shalt  }
0x69: {  	_ =	shalt  }
0x6a: {  	_ =	shalt  }
0x6b: {  	_ =	shalt  }
0x6c: {  	_ =	shalt  }
0x6d: {  	_ =	shalt  }
0x6e: {  	_ =	shalt  }
0x6f: {  	_ =	shalt  }
0x70: {  	_ =	shalt  }
0x71: {  	_ =	shalt  }
0x72: {  	_ =	shalt  }
0x73: {  	_ =	shalt  }
0x74: {  	_ =	shalt  }
0x75: {  	_ =	shalt  }
0x76: {  	_ =	shalt  }
0x77: {  	_ =	shalt  }
0x78: {  	_ =	shalt  }
0x79: {  	_ =	shalt  }
0x7a: {  	_ =	shalt  }
0x7b: {  	_ =	shalt  }
0x7c: {  	_ =	shalt  }
0x7d: {  	_ =	shalt  }
0x7e: {  	_ =	shalt  }
0x7f: {  	_ =	shalt  }
0x80: {  	_ =	shalt  }
0x81: {  	_ =	shalt  }
0x82: {  	_ =	shalt  }
0x83: {  	_ =	shalt  }
0x84: {  	_ =	shalt  }
0x85: {  	_ =	shalt  }
0x86: {  	_ =	shalt  }
0x87: {  	_ =	shalt  }
.Lfunc_end0:
.L_simem_size_0:
called_computation_lowered:
.L_overlay_start_0:
0x88: {  	s2 =	sld [smem:$0x3FD9]  }
0x89: {  	s3 =	sld [smem:$0x3FFE];
	_ =	sdelay $0x1  }
0x8a: {  	s1 =	srdreg.scid  }
0x8b: {  	s0 =	sand.u32 $0x1, s1  }
0x8c: {  	s17 =	sshll.u32 s0, $0xA;
	s2 =	sadd.s32 s3, s2  }
0x8d: {  	s2 =	sadd.s32 s2, s17  }
0x8e: {  	[smem:$0x3FC5] =	sst s2  }
0x8f: {  	_ = 	snop  }
0x90: {  	s2 =	sld [smem:$0x3FC8];
	(tm) =	ssettm $0x1  }
0x91: {  	s18 =	sld [smem:$0x3FFB];
	_ =	sdelay $0x3  }
0x92: {  	_ =	strace s18  }
0x93: {  	s3 =	sld [smem:$0x3FFC];
	_ =	sdelay $0x3  }
0x94: {  	_ =	strace s3  }
0x95: {  	s3 =	sld [smem:$0x3FFD];
	_ =	sdelay $0x3  }
0x96: {  	_ =	strace s3  }
0x97: {  	_ =	strace $0x8FFFFFFF  }
0x98: {  	s19 =	sld [smem:$0x3FDB];
	_ =	sdelay $0x1  }
0x99: {  	s4 =	simm.s32 $_scs_section_size  }
0x9a: {  	s5 =	simm.s32 $_size__tile_overlayer_lowered;
	s6 =	simm.s32 $_tile_overlayer_lowered  }
0x9b: {  	s22 =	simm.s32 $0x1BFF;
	s21 =	sshll.u32 s6, $0x1;
	s3 =	sadd.s32 s4, s19  }
0x9c: {  	s7 =	simm.s32 $0x0;
	s20 =	sshll.u32 s5, $0x1;
	s5 =	sadd.s32 s21, s3  }
0x9d: {  	[timem:s7], [sflag:s22] =	dma.local [hbm:s5], s20  }
0x9e: {  	_ =	swait.ge [sflag:s22], s20  }
0x9f: {  	s4 =	ssub.s32 $0x0, s20;
	[sflag:s22] =	ssyncset.done $0x0  }
0xa0: {  	[sflag:s22] =	ssyncadd.s32 s4;
	_ =	sdelay $0x1  }
0xa1: {  	s23 =	simm.s32 $0x1B8B  }
0xa2: {  	_ =	swait.ge [sflag:s23], $0x1  }
0xa3: {  	[sflag:s23] =	ssyncset.done $0x0  }
0xa4: {  	s25 =	simm.s32 $0x1B8E;
	s24 =	sld [smem:$0x3FFE];
	[sflag:s23] =	ssyncadd.s32 $0xFFFFFFFF  }
0xa5: {  	s26 =	simm.s32 $execute0_lowered;
	[smem:$0x3FD2] =	sst s25  }
0xa6: {  	s5 =	sshll.u32 s26, $0x1;
	_ =	strace $0x80000046;
	[dreg:$0x1] =	wrdreg $0xFFFFFFFF  }
0xa7: {  	s28 =	simm.s32 $_size_execute0_lowered;
	s3 =	sadd.s32 s3, s5;
	[dreg:$0x0] =	wrdreg $0x0  }
0xa8: {  	s5 =	sshll.u32 s28, $0x1;
	[dreg:$0x2] =	wrdreg s3  }
0xa9: {  	[dreg:$0x3] =	wrdreg s5  }
0xaa: {  	[dreg:$0x4] =	wrdreg $0xC0  }
0xab: {  	_ =	task [dreg:s7], $0x5FFFF  }
0xac: {  	[dreg:$0x1] =	wrdreg $0xFFFFFFFF  }
0xad: {  	[dreg:$0x0] =	wrdreg $0x60  }
0xae: {  	[dreg:$0x2] =	wrdreg s24  }
0xaf: {  	[dreg:$0x3] =	wrdreg s2  }
0xb0: {  	[dreg:$0x4] =	wrdreg $0x9  }
0xb1: {  	_ =	task.clear_ibuf [dreg:s7], $0x5FFFF;
	_ =	strace $0x90000046  }
0xb2: {  	s29 =	simm.s32 $0x9;
	_ =	strace $0x80000048  }
0xb3: {  	_ =	swait.ge [sflag:s29], $0x1  }
0xb4: {  	[sflag:s29] =	ssyncadd.s32 $0xFFFFFFFF  }
0xb5: {  	_ =	strace $0x90000048  }
0xb6: {  	_ =	sfence  }
0xb7: {  	s30 =	sld [smem:$0x0];
	_ =	sdelay $0x2  }
0xb8: {  	s31 =	sshll.u32 s1, $0xD;
	s1 =	sshrl.u32 s1, $0x2  }
0xb9: {  	s3 =	sand.u32 $0x4000, s31;
	s1 =	sadd.s32 s1, s30  }
0xba: {  	s0 =	sor.u32 s3, s0;
	s1 =	sshll.u32 s1, $0x11  }
0xbb: {  	s0 =	sor.u32 s1, s0  }
0xbc: {  	s0 =	sadd.s32 $0x8F2B, s0  }
0xbd: {  	[sflag:s0] =	ssyncadd.remote.s32 $0x1  }
0xbe: {  	_ =	sfence.sel $0xFFFF  }
0xbf: {  	[dreg:$0x0] =	wrdreg $0xFFFFFFFF;
	(pc) =	sbr.abs _section_cstart, $3  }
0xc0: {  	[dreg:$0x1] =	wrdreg $0xFFFFFFFF  }
0xc1: {  	_ =	task.clear_ibuf [dreg:s7], $0x2FFFF;
	_ =	strace $0x9FFFFFFF  }
0xc2: {  	(tm) =	ssettm $0x7FFFFFFF  }
0xc3: {  	_ =	shalt  }
tec
execute0_lowered:
.L_overlay_start_1:
0x0: {  	(tag) =	ssettag $0x1  }
0x1: {  	s4 =	rddreg [dreg:$0x0]  }
0x2: {  	s5 =	rddreg [dreg:$0x1]  }
0x3: {  	s0 =	rddreg [dreg:$0x2];
	s2 =	simm.s32 $0x0;
	s3 =	srdreg.scid  }
0x4: {  	s1 =	stileid.u32;
	s10 =	simm.s32 $0x300;
	s11 =	simm.s32 $0x380  }
0x5: {  	s12 =	simm.s32 $0x400;
	s13 =	simm.s32 $0x480;
	s14 =	simm.s32 $0x500  }
0x6: {  	s15 =	simm.s32 $0x580;
	s16 =	simm.s32 $0x600;
	s17 =	simm.s32 $0x680  }
0x7: {  	s18 =	simm.s32 $0x700;
	s19 =	simm.s32 $0x780;
	s20 =	simm.s32 $0x800  }
0x8: {  	s21 =	simm.s32 $0x880;
	s22 =	simm.s32 $0x900;
	s23 =	simm.s32 $0x980  }
0x9: {  	s24 =	simm.s32 $0x1;
	s25 =	simm.s32 $0x0;
	s6 =	sand.u32 $0x1, s3  }
0xa: {  	[smem:$0x7FF] =	sst s2;
	s7 =	sshll.u32 s1, $0xA;
	s8 =	sshll.u32 s6, $0x9  }
0xb: {  	s3 =	sadd.s32 $0xA00, s4;
	s6 =	ssub.s32 $0x2, s6;
	s7 =	sor.u32 s8, s7  }
0xc: {  	_ =	strace $0x80000047;
	s9 =	sshrl.u32 s6, $0x1;
	s8 =	sshll.u32 s7, $0x4  }
0xd: {  	s7 =	sshrl.u32 s7, $0x3;
	s6 =	ssub.s32 s6, s9;
	s9 =	simm.s32 $0x280  }
0xe: {  	s8 =	sadd.s32 s8, s4;
	s4 =	sadd.s32 s5, s7;
	s6 =	smax.u32 s6, $0x1  }
0xf: {  	s7 =	simm.s32 $0x2;
	s5 =	sadd.s32 $0x800A00, s8;
	s8 =	simm.s32 $0x200  }
.LBB2_1:
0x10: {  	[tilespmem:s2], [sflag:$0x2] =	stream.linear.gather [hbm4b:s4+s2], $0x200, $0x38;
	[tilespmem:$0x10200] =	vst v63  }
0x11: {  	_ =	swait.ge [sflag:s7], $0x200  }
0x12: {  	[sflag:s7] =	ssyncset.done $0x0  }
0x13: {  	[sflag:s7] =	ssyncadd.s32 $0xFFFFFE00  }
0x14: {  	v0 =	vld [tilespmem:$0x0];
	_ =	sdelay $0x4  }
0x15: {  	v0 =	vand.u32 $0x7FFFF, v0  }
0x16: {  	v0 =	vshll.u32 v0, $0x4  }
0x17: {  	v0 =	vadd.s32 s3, v0  }
0x18: {  	(v2sf) =	vpush v0, $0x0;
	_ =	sdelay $0x1  }
0x19: {  	(v2sf) =	vpush v0, $0x1;
	_ =	sdelay $0x1  }
0x1a: {  	(v2sf) =	vpush v0, $0x2;
	_ =	sdelay $0x1  }
0x1b: {  	(v2sf) =	vpush v0, $0x3;
	_ =	sdelay $0x1  }
0x1c: {  	(v2sf) =	vpush v0, $0x4;
	_ =	sdelay $0x1  }
0x1d: {  	(v2sf) =	vpush v0, $0x5;
	_ =	sdelay $0x1  }
0x1e: {  	(v2sf) =	vpush v0, $0x6;
	_ =	sdelay $0x1  }
0x1f: {  	(v2sf) =	vpush v0, $0x7  }
0x20: {  	s26 =	spop (v2sf)  }
0x21: {  	(v2sf) =	vpush v0, $0x8;
	[tilespmem:s8], [sflag:$0x1] =	stream.linear.gather [hbm4b:s26+s2], $0x80, $0x38;
	[tilespmem:$0x10200] =	vst v63  }
0x22: {  	s31 =	spop (v2sf)  }
0x23: {  	(v2sf) =	vpush v0, $0x9;
	[tilespmem:s9], [sflag:$0x1] =	stream.linear.gather [hbm4b:s31+s2], $0x80, $0x38;
	[tilespmem:$0x10200] =	vst v63  }
0x24: {  	s29 =	spop (v2sf)  }
0x25: {  	(v2sf) =	vpush v0, $0xA;
	[tilespmem:s10], [sflag:$0x1] =	stream.linear.gather [hbm4b:s29+s2], $0x80, $0x38;
	[tilespmem:$0x10200] =	vst v63  }
0x26: {  	s30 =	spop (v2sf)  }
0x27: {  	(v2sf) =	vpush v0, $0xB;
	[tilespmem:s11], [sflag:$0x1] =	stream.linear.gather [hbm4b:s30+s2], $0x80, $0x38;
	[tilespmem:$0x10200] =	vst v63  }
0x28: {  	s31 =	spop (v2sf)  }
0x29: {  	(v2sf) =	vpush v0, $0xC;
	[tilespmem:s12], [sflag:$0x1] =	stream.linear.gather [hbm4b:s31+s2], $0x80, $0x38;
	[tilespmem:$0x10200] =	vst v63  }
0x2a: {  	s29 =	spop (v2sf)  }
0x2b: {  	(v2sf) =	vpush v0, $0xD;
	[tilespmem:s13], [sflag:$0x1] =	stream.linear.gather [hbm4b:s29+s2], $0x80, $0x38;
	[tilespmem:$0x10200] =	vst v63  }
0x2c: {  	s30 =	spop (v2sf)  }
0x2d: {  	(v2sf) =	vpush v0, $0xE;
	[tilespmem:s14], [sflag:$0x1] =	stream.linear.gather [hbm4b:s30+s2], $0x80, $0x38;
	[tilespmem:$0x10200] =	vst v63  }
0x2e: {  	s31 =	spop (v2sf)  }
0x2f: {  	(v2sf) =	vpush v0, $0xF;
	[tilespmem:s15], [sflag:$0x1] =	stream.linear.gather [hbm4b:s31+s2], $0x80, $0x38;
	[tilespmem:$0x10200] =	vst v63  }
0x30: {  	s29 =	spop (v2sf)  }
0x31: {  	[tilespmem:s16], [sflag:$0x1] =	stream.linear.gather [hbm4b:s29+s2], $0x80, $0x38;
	[tilespmem:$0x10200] =	vst v63  }
0x32: {  	s30 =	spop (v2sf)  }
0x33: {  	[tilespmem:s17], [sflag:$0x1] =	stream.linear.gather [hbm4b:s30+s2], $0x80, $0x38;
	[tilespmem:$0x10200] =	vst v63  }
0x34: {  	s31 =	spop (v2sf)  }
0x35: {  	[tilespmem:s18], [sflag:$0x1] =	stream.linear.gather [hbm4b:s31+s2], $0x80, $0x38;
	[tilespmem:$0x10200] =	vst v63  }
0x36: {  	s29 =	spop (v2sf)  }
0x37: {  	[tilespmem:s19], [sflag:$0x1] =	stream.linear.gather [hbm4b:s29+s2], $0x80, $0x38;
	[tilespmem:$0x10200] =	vst v63  }
0x38: {  	s30 =	spop (v2sf)  }
0x39: {  	[tilespmem:s20], [sflag:$0x1] =	stream.linear.gather [hbm4b:s30+s2], $0x80, $0x38;
	[tilespmem:$0x10200] =	vst v63  }
0x3a: {  	s31 =	spop (v2sf)  }
0x3b: {  	[tilespmem:s21], [sflag:$0x1] =	stream.linear.gather [hbm4b:s31+s2], $0x80, $0x38;
	[tilespmem:$0x10200] =	vst v63  }
0x3c: {  	s29 =	spop (v2sf)  }
0x3d: {  	[tilespmem:s22], [sflag:$0x1] =	stream.linear.gather [hbm4b:s29+s2], $0x80, $0x38;
	[tilespmem:$0x10200] =	vst v63  }
0x3e: {  	s26 =	simm.s32 $0x10;
	s30 =	spop (v2sf)  }
0x3f: {  	[tilespmem:s23], [sflag:$0x1] =	stream.linear.gather [hbm4b:s30+s2], $0x80, $0x38;
	[tilespmem:$0x10200] =	vst v63  }
0x40: {  	v63 =	vld [tilespmem:s26+$0x0];
	_ =	sdelay $0x4  }
0x41: {  	v0 =	vand.u32 $0x7FFFF, v63  }
0x42: {  	v0 =	vshll.u32 v0, $0x4  }
0x43: {  	v0 =	vadd.s32 s3, v0  }
0x44: {  	(v2sf) =	vpush v0, $0x0;
	_ =	sdelay $0x1  }
0x45: {  	(v2sf) =	vpush v0, $0x1;
	_ =	sdelay $0x1  }
0x46: {  	(v2sf) =	vpush v0, $0x2;
	_ =	sdelay $0x1  }
0x47: {  	(v2sf) =	vpush v0, $0x3;
	_ =	sdelay $0x1  }
0x48: {  	(v2sf) =	vpush v0, $0x4;
	_ =	sdelay $0x1  }
0x49: {  	(v2sf) =	vpush v0, $0x5;
	_ =	sdelay $0x1  }
0x4a: {  	(v2sf) =	vpush v0, $0x6;
	_ =	sdelay $0x1  }
0x4b: {  	(v2sf) =	vpush v0, $0x7  }
0x4c: {  	s28 =	simm.s32 $0xA00;
	s29 =	spop (v2sf)  }
0x4d: {  	(v2sf) =	vpush v0, $0x8;
	[tilespmem:s28], [sflag:$0x1] =	stream.linear.gather [hbm4b:s29+s2], $0x80, $0x38;
	[tilespmem:$0x10200] =	vst v63  }
0x4e: {  	s28 =	simm.s32 $0xA80;
	s31 =	spop (v2sf)  }
0x4f: {  	(v2sf) =	vpush v0, $0x9;
	[tilespmem:s28], [sflag:$0x1] =	stream.linear.gather [hbm4b:s31+s2], $0x80, $0x38;
	[tilespmem:$0x10200] =	vst v63  }
0x50: {  	s30 =	spop (v2sf);
	s28 =	simm.s32 $0xB00  }
0x51: {  	(v2sf) =	vpush v0, $0xA;
	[tilespmem:s28], [sflag:$0x1] =	stream.linear.gather [hbm4b:s30+s2], $0x80, $0x38;
	[tilespmem:$0x10200] =	vst v63  }
0x52: {  	s31 =	spop (v2sf);
	s28 =	simm.s32 $0xB80  }
0x53: {  	(v2sf) =	vpush v0, $0xB;
	[tilespmem:s28], [sflag:$0x1] =	stream.linear.gather [hbm4b:s31+s2], $0x80, $0x38;
	[tilespmem:$0x10200] =	vst v63  }
0x54: {  	s30 =	spop (v2sf);
	s28 =	simm.s32 $0xC00  }
0x55: {  	(v2sf) =	vpush v0, $0xC;
	[tilespmem:s28], [sflag:$0x1] =	stream.linear.gather [hbm4b:s30+s2], $0x80, $0x38;
	[tilespmem:$0x10200] =	vst v63  }
0x56: {  	s31 =	spop (v2sf);
	s28 =	simm.s32 $0xC80  }
0x57: {  	(v2sf) =	vpush v0, $0xD;
	[tilespmem:s28], [sflag:$0x1] =	stream.linear.gather [hbm4b:s31+s2], $0x80, $0x38;
	[tilespmem:$0x10200] =	vst v63  }
0x58: {  	s30 =	spop (v2sf);
	s28 =	simm.s32 $0xD00  }
0x59: {  	(v2sf) =	vpush v0, $0xE;
	[tilespmem:s28], [sflag:$0x1] =	stream.linear.gather [hbm4b:s30+s2], $0x80, $0x38;
	[tilespmem:$0x10200] =	vst v63  }
0x5a: {  	s31 =	spop (v2sf);
	s28 =	simm.s32 $0xD80  }
0x5b: {  	(v2sf) =	vpush v0, $0xF;
	[tilespmem:s28], [sflag:$0x1] =	stream.linear.gather [hbm4b:s31+s2], $0x80, $0x38;
	[tilespmem:$0x10200] =	vst v63  }
0x5c: {  	s28 =	simm.s32 $0xE00;
	s30 =	spop (v2sf)  }
0x5d: {  	[tilespmem:s28], [sflag:$0x1] =	stream.linear.gather [hbm4b:s30+s2], $0x80, $0x38;
	[tilespmem:$0x10200] =	vst v63  }
0x5e: {  	s31 =	spop (v2sf);
	s28 =	simm.s32 $0xE80  }
0x5f: {  	[tilespmem:s28], [sflag:$0x1] =	stream.linear.gather [hbm4b:s31+s2], $0x80, $0x38;
	[tilespmem:$0x10200] =	vst v63  }
0x60: {  	s30 =	spop (v2sf);
	s28 =	simm.s32 $0xF00  }
0x61: {  	[tilespmem:s28], [sflag:$0x1] =	stream.linear.gather [hbm4b:s30+s2], $0x80, $0x38;
	[tilespmem:$0x10200] =	vst v63  }
0x62: {  	s31 =	spop (v2sf);
	s28 =	simm.s32 $0xF80  }
0x63: {  	[tilespmem:s28], [sflag:$0x1] =	stream.linear.gather [hbm4b:s31+s2], $0x80, $0x38;
	[tilespmem:$0x10200] =	vst v63  }
0x64: {  	s30 =	spop (v2sf);
	s28 =	simm.s32 $0x1000  }
0x65: {  	[tilespmem:s28], [sflag:$0x1] =	stream.linear.gather [hbm4b:s30+s2], $0x80, $0x38;
	[tilespmem:$0x10200] =	vst v63  }
0x66: {  	s31 =	spop (v2sf);
	s28 =	simm.s32 $0x1080  }
0x67: {  	[tilespmem:s28], [sflag:$0x1] =	stream.linear.gather [hbm4b:s31+s2], $0x80, $0x38;
	[tilespmem:$0x10200] =	vst v63  }
0x68: {  	s30 =	spop (v2sf);
	s28 =	simm.s32 $0x1100  }
0x69: {  	[tilespmem:s28], [sflag:$0x1] =	stream.linear.gather [hbm4b:s30+s2], $0x80, $0x38;
	[tilespmem:$0x10200] =	vst v63  }
0x6a: {  	s31 =	spop (v2sf);
	s28 =	simm.s32 $0x1180  }
0x6b: {  	[tilespmem:s28], [sflag:$0x1] =	stream.linear.gather [hbm4b:s31+s2], $0x80, $0x38;
	[tilespmem:$0x10200] =	vst v63  }
0x6c: {  	_ =	swait.ge [sflag:s24], $0x80  }
0x6d: {  	[sflag:s24] =	ssyncset.done $0x0  }
0x6e: {  	[sflag:s24] =	ssyncadd.s32 $0xFFFFFF80  }
0x6f: {  	_ =	swait.ge [sflag:s24], $0x80  }
0x70: {  	[sflag:s24] =	ssyncset.done $0x0  }
0x71: {  	[sflag:s24] =	ssyncadd.s32 $0xFFFFFF80  }
0x72: {  	_ =	swait.ge [sflag:s24], $0x80  }
0x73: {  	[sflag:s24] =	ssyncset.done $0x0  }
0x74: {  	[sflag:s24] =	ssyncadd.s32 $0xFFFFFF80  }
0x75: {  	_ =	swait.ge [sflag:s24], $0x80  }
0x76: {  	[sflag:s24] =	ssyncset.done $0x0  }
0x77: {  	[sflag:s24] =	ssyncadd.s32 $0xFFFFFF80  }
0x78: {  	_ =	swait.ge [sflag:s24], $0x80  }
0x79: {  	[sflag:s24] =	ssyncset.done $0x0  }
0x7a: {  	[sflag:s24] =	ssyncadd.s32 $0xFFFFFF80  }
0x7b: {  	_ =	swait.ge [sflag:s24], $0x80  }
0x7c: {  	[sflag:s24] =	ssyncset.done $0x0  }
0x7d: {  	[sflag:s24] =	ssyncadd.s32 $0xFFFFFF80  }
0x7e: {  	_ =	swait.ge [sflag:s24], $0x80  }
0x7f: {  	[sflag:s24] =	ssyncset.done $0x0  }
0x80: {  	[sflag:s24] =	ssyncadd.s32 $0xFFFFFF80  }
0x81: {  	_ =	swait.ge [sflag:s24], $0x80  }
0x82: {  	[sflag:s24] =	ssyncset.done $0x0  }
0x83: {  	[sflag:s24] =	ssyncadd.s32 $0xFFFFFF80  }
0x84: {  	_ =	swait.ge [sflag:s24], $0x80  }
0x85: {  	[sflag:s24] =	ssyncset.done $0x0  }
0x86: {  	[sflag:s24] =	ssyncadd.s32 $0xFFFFFF80  }
0x87: {  	_ =	swait.ge [sflag:s24], $0x80  }
0x88: {  	[sflag:s24] =	ssyncset.done $0x0  }
0x89: {  	[sflag:s24] =	ssyncadd.s32 $0xFFFFFF80  }
0x8a: {  	_ =	swait.ge [sflag:s24], $0x80  }
0x8b: {  	[sflag:s24] =	ssyncset.done $0x0  }
0x8c: {  	[sflag:s24] =	ssyncadd.s32 $0xFFFFFF80  }
0x8d: {  	_ =	swait.ge [sflag:s24], $0x80  }
0x8e: {  	[sflag:s24] =	ssyncset.done $0x0  }
0x8f: {  	[sflag:s24] =	ssyncadd.s32 $0xFFFFFF80  }
0x90: {  	_ =	swait.ge [sflag:s24], $0x80  }
0x91: {  	[sflag:s24] =	ssyncset.done $0x0  }
0x92: {  	[sflag:s24] =	ssyncadd.s32 $0xFFFFFF80  }
0x93: {  	_ =	swait.ge [sflag:s24], $0x80  }
0x94: {  	[sflag:s24] =	ssyncset.done $0x0  }
0x95: {  	[sflag:s24] =	ssyncadd.s32 $0xFFFFFF80  }
0x96: {  	_ =	swait.ge [sflag:s24], $0x80  }
0x97: {  	[sflag:s24] =	ssyncset.done $0x0  }
0x98: {  	[sflag:s24] =	ssyncadd.s32 $0xFFFFFF80  }
0x99: {  	_ =	swait.ge [sflag:s24], $0x80  }
0x9a: {  	s28 =	simm.s32 $0x2000;
	[sflag:s24] =	ssyncset.done $0x0  }
.LBB2_2:
0x9b: {  	p0 =	sne.s32 s28, $0x3C000;
	[sflag:s24] =	ssyncadd.s32 $0xFFFFFF80;
	s26 =	sadd.s32 $0x10, s26  }
0x9c: {  	s29 =	smov.u32 s28;
	s28 =	sadd.s32 $0x2000, s28;
	v0 =	vld [tilespmem:s26+$0x0];
	_ =	sdelay $0x4  }
0x9d: {  	v0 =	vand.u32 $0x7FFFF, v0  }
0x9e: {  	v0 =	vshll.u32 v0, $0x4  }
0x9f: {  	v0 =	vadd.s32 s3, v0  }
0xa0: {  	(v2sf) =	vpush v0, $0x0;
	_ =	sdelay $0x1  }
0xa1: {  	(v2sf) =	vpush v0, $0x1;
	_ =	sdelay $0x1  }
0xa2: {  	(v2sf) =	vpush v0, $0x2;
	_ =	sdelay $0x1  }
0xa3: {  	(v2sf) =	vpush v0, $0x3;
	_ =	sdelay $0x1  }
0xa4: {  	(v2sf) =	vpush v0, $0x4;
	_ =	sdelay $0x1  }
0xa5: {  	(v2sf) =	vpush v0, $0x5;
	_ =	sdelay $0x1  }
0xa6: {  	(v2sf) =	vpush v0, $0x6;
	_ =	sdelay $0x1  }
0xa7: {  	s29 =	sshra.s32 s29, $0x2;
	(v2sf) =	vpush v0, $0x7  }
0xa8: {  	s30 =	sadd.s32 $0xA00, s29;
	s31 =	spop (v2sf)  }
0xa9: {  	[tilespmem:s30], [sflag:$0x1] =	stream.linear.gather [hbm4b:s31+s2], $0x80, $0x38;
	(v2sf) =	vpush v0, $0x8;
	[tilespmem:$0x10200] =	vst v63  }
0xaa: {  	s30 =	sadd.s32 $0xA80, s29;
	s31 =	spop (v2sf)  }
0xab: {  	[tilespmem:s30], [sflag:$0x1] =	stream.linear.gather [hbm4b:s31+s2], $0x80, $0x38;
	(v2sf) =	vpush v0, $0x9;
	[tilespmem:$0x10200] =	vst v63  }
0xac: {  	s30 =	sadd.s32 $0xB00, s29;
	s31 =	spop (v2sf)  }
0xad: {  	[tilespmem:s30], [sflag:$0x1] =	stream.linear.gather [hbm4b:s31+s2], $0x80, $0x38;
	(v2sf) =	vpush v0, $0xA;
	[tilespmem:$0x10200] =	vst v63  }
0xae: {  	s30 =	sadd.s32 $0xB80, s29;
	s31 =	spop (v2sf)  }
0xaf: {  	[tilespmem:s30], [sflag:$0x1] =	stream.linear.gather [hbm4b:s31+s2], $0x80, $0x38;
	(v2sf) =	vpush v0, $0xB;
	[tilespmem:$0x10200] =	vst v63  }
0xb0: {  	s30 =	sadd.s32 $0xC00, s29;
	s31 =	spop (v2sf)  }
0xb1: {  	[tilespmem:s30], [sflag:$0x1] =	stream.linear.gather [hbm4b:s31+s2], $0x80, $0x38;
	(v2sf) =	vpush v0, $0xC;
	[tilespmem:$0x10200] =	vst v63  }
0xb2: {  	s30 =	sadd.s32 $0xC80, s29;
	s31 =	spop (v2sf)  }
0xb3: {  	[tilespmem:s30], [sflag:$0x1] =	stream.linear.gather [hbm4b:s31+s2], $0x80, $0x38;
	(v2sf) =	vpush v0, $0xD;
	[tilespmem:$0x10200] =	vst v63  }
0xb4: {  	s30 =	sadd.s32 $0xD00, s29;
	s31 =	spop (v2sf)  }
0xb5: {  	[tilespmem:s30], [sflag:$0x1] =	stream.linear.gather [hbm4b:s31+s2], $0x80, $0x38;
	(v2sf) =	vpush v0, $0xE;
	[tilespmem:$0x10200] =	vst v63  }
0xb6: {  	s30 =	sadd.s32 $0xD80, s29;
	s31 =	spop (v2sf)  }
0xb7: {  	[tilespmem:s30], [sflag:$0x1] =	stream.linear.gather [hbm4b:s31+s2], $0x80, $0x38;
	(v2sf) =	vpush v0, $0xF;
	[tilespmem:$0x10200] =	vst v63  }
0xb8: {  	s30 =	sadd.s32 $0xE00, s29;
	s31 =	spop (v2sf)  }
0xb9: {  	[tilespmem:s30], [sflag:$0x1] =	stream.linear.gather [hbm4b:s31+s2], $0x80, $0x38;
	[tilespmem:$0x10200] =	vst v63  }
0xba: {  	s30 =	sadd.s32 $0xE80, s29;
	s31 =	spop (v2sf)  }
0xbb: {  	[tilespmem:s30], [sflag:$0x1] =	stream.linear.gather [hbm4b:s31+s2], $0x80, $0x38;
	[tilespmem:$0x10200] =	vst v63  }
0xbc: {  	s30 =	sadd.s32 $0xF00, s29;
	s31 =	spop (v2sf)  }
0xbd: {  	[tilespmem:s30], [sflag:$0x1] =	stream.linear.gather [hbm4b:s31+s2], $0x80, $0x38;
	[tilespmem:$0x10200] =	vst v63  }
0xbe: {  	s30 =	sadd.s32 $0xF80, s29;
	s31 =	spop (v2sf)  }
0xbf: {  	[tilespmem:s30], [sflag:$0x1] =	stream.linear.gather [hbm4b:s31+s2], $0x80, $0x38;
	[tilespmem:$0x10200] =	vst v63  }
0xc0: {  	s30 =	sadd.s32 $0x1000, s29;
	s31 =	spop (v2sf)  }
0xc1: {  	[tilespmem:s30], [sflag:$0x1] =	stream.linear.gather [hbm4b:s31+s2], $0x80, $0x38;
	[tilespmem:$0x10200] =	vst v63  }
0xc2: {  	s30 =	sadd.s32 $0x1080, s29;
	s31 =	spop (v2sf)  }
0xc3: {  	[tilespmem:s30], [sflag:$0x1] =	stream.linear.gather [hbm4b:s31+s2], $0x80, $0x38;
	[tilespmem:$0x10200] =	vst v63  }
0xc4: {  	s30 =	sadd.s32 $0x1100, s29;
	s31 =	spop (v2sf)  }
0xc5: {  	[tilespmem:s30], [sflag:$0x1] =	stream.linear.gather [hbm4b:s31+s2], $0x80, $0x38;
	[tilespmem:$0x10200] =	vst v63  }
0xc6: {  	s29 =	sadd.s32 $0x1180, s29;
	s30 =	spop (v2sf)  }
0xc7: {  	[tilespmem:s29], [sflag:$0x1] =	stream.linear.gather [hbm4b:s30+s2], $0x80, $0x38;
	[tilespmem:$0x10200] =	vst v63  }
0xc8: {  	_ =	swait.ge [sflag:s24], $0x80  }
0xc9: {  	[sflag:s24] =	ssyncset.done $0x0  }
0xca: {  	[sflag:s24] =	ssyncadd.s32 $0xFFFFFF80  }
0xcb: {  	_ =	swait.ge [sflag:s24], $0x80  }
0xcc: {  	[sflag:s24] =	ssyncset.done $0x0  }
0xcd: {  	[sflag:s24] =	ssyncadd.s32 $0xFFFFFF80  }
0xce: {  	_ =	swait.ge [sflag:s24], $0x80  }
0xcf: {  	[sflag:s24] =	ssyncset.done $0x0  }
0xd0: {  	[sflag:s24] =	ssyncadd.s32 $0xFFFFFF80  }
0xd1: {  	_ =	swait.ge [sflag:s24], $0x80  }
0xd2: {  	[sflag:s24] =	ssyncset.done $0x0  }
0xd3: {  	[sflag:s24] =	ssyncadd.s32 $0xFFFFFF80  }
0xd4: {  	_ =	swait.ge [sflag:s24], $0x80  }
0xd5: {  	[sflag:s24] =	ssyncset.done $0x0  }
0xd6: {  	[sflag:s24] =	ssyncadd.s32 $0xFFFFFF80  }
0xd7: {  	_ =	swait.ge [sflag:s24], $0x80  }
0xd8: {  	[sflag:s24] =	ssyncset.done $0x0  }
0xd9: {  	[sflag:s24] =	ssyncadd.s32 $0xFFFFFF80  }
0xda: {  	_ =	swait.ge [sflag:s24], $0x80  }
0xdb: {  	[sflag:s24] =	ssyncset.done $0x0  }
0xdc: {  	[sflag:s24] =	ssyncadd.s32 $0xFFFFFF80  }
0xdd: {  	_ =	swait.ge [sflag:s24], $0x80  }
0xde: {  	[sflag:s24] =	ssyncset.done $0x0  }
0xdf: {  	[sflag:s24] =	ssyncadd.s32 $0xFFFFFF80  }
0xe0: {  	_ =	swait.ge [sflag:s24], $0x80  }
0xe1: {  	[sflag:s24] =	ssyncset.done $0x0  }
0xe2: {  	[sflag:s24] =	ssyncadd.s32 $0xFFFFFF80  }
0xe3: {  	_ =	swait.ge [sflag:s24], $0x80  }
0xe4: {  	[sflag:s24] =	ssyncset.done $0x0  }
0xe5: {  	[sflag:s24] =	ssyncadd.s32 $0xFFFFFF80  }
0xe6: {  	_ =	swait.ge [sflag:s24], $0x80  }
0xe7: {  	[sflag:s24] =	ssyncset.done $0x0  }
0xe8: {  	[sflag:s24] =	ssyncadd.s32 $0xFFFFFF80  }
0xe9: {  	_ =	swait.ge [sflag:s24], $0x80  }
0xea: {  	[sflag:s24] =	ssyncset.done $0x0  }
0xeb: {  	[sflag:s24] =	ssyncadd.s32 $0xFFFFFF80  }
0xec: {  	_ =	swait.ge [sflag:s24], $0x80  }
0xed: {  	[sflag:s24] =	ssyncset.done $0x0  }
0xee: {  	[sflag:s24] =	ssyncadd.s32 $0xFFFFFF80  }
0xef: {  	_ =	swait.ge [sflag:s24], $0x80  }
0xf0: {  	[sflag:s24] =	ssyncset.done $0x0  }
0xf1: {  	[sflag:s24] =	ssyncadd.s32 $0xFFFFFF80  }
.Ltmp0:
0xf2: {  	_ =	swait.ge [sflag:s24], $0x80;
	(pc) =	sbr.rel @p0 .LBB2_2-.Ltmp0, $4  }
0xf3: {  	[sflag:s24] =	ssyncset.done $0x0  }
0xf4: {  	[sflag:s24] =	ssyncadd.s32 $0xFFFFFF80  }
0xf5: {  	_ =	swait.ge [sflag:s24], $0x80  }
0xf6: {  	[sflag:s24] =	ssyncset.done $0x0  }
0xf7: {  	[sflag:s24] =	ssyncadd.s32 $0xFFFFFF80  }
0xf8: {  	_ =	swait.ge [sflag:s24], $0x80  }
0xf9: {  	[sflag:s24] =	ssyncset.done $0x0  }
0xfa: {  	[sflag:s24] =	ssyncadd.s32 $0xFFFFFF80  }
0xfb: {  	_ =	swait.ge [sflag:s24], $0x80  }
0xfc: {  	[sflag:s24] =	ssyncset.done $0x0  }
0xfd: {  	[sflag:s24] =	ssyncadd.s32 $0xFFFFFF80  }
0xfe: {  	_ =	swait.ge [sflag:s24], $0x80  }
0xff: {  	[sflag:s24] =	ssyncset.done $0x0  }
0x100: {  	[sflag:s24] =	ssyncadd.s32 $0xFFFFFF80  }
0x101: {  	_ =	swait.ge [sflag:s24], $0x80  }
0x102: {  	[sflag:s24] =	ssyncset.done $0x0  }
0x103: {  	[sflag:s24] =	ssyncadd.s32 $0xFFFFFF80  }
0x104: {  	_ =	swait.ge [sflag:s24], $0x80  }
0x105: {  	[sflag:s24] =	ssyncset.done $0x0  }
0x106: {  	[sflag:s24] =	ssyncadd.s32 $0xFFFFFF80  }
0x107: {  	_ =	swait.ge [sflag:s24], $0x80  }
0x108: {  	[sflag:s24] =	ssyncset.done $0x0  }
0x109: {  	[sflag:s24] =	ssyncadd.s32 $0xFFFFFF80  }
0x10a: {  	_ =	swait.ge [sflag:s24], $0x80  }
0x10b: {  	[sflag:s24] =	ssyncset.done $0x0  }
0x10c: {  	[sflag:s24] =	ssyncadd.s32 $0xFFFFFF80  }
0x10d: {  	_ =	swait.ge [sflag:s24], $0x80  }
0x10e: {  	[sflag:s24] =	ssyncset.done $0x0  }
0x10f: {  	[sflag:s24] =	ssyncadd.s32 $0xFFFFFF80  }
0x110: {  	_ =	swait.ge [sflag:s24], $0x80  }
0x111: {  	[sflag:s24] =	ssyncset.done $0x0  }
0x112: {  	[sflag:s24] =	ssyncadd.s32 $0xFFFFFF80  }
0x113: {  	_ =	swait.ge [sflag:s24], $0x80  }
0x114: {  	[sflag:s24] =	ssyncset.done $0x0  }
0x115: {  	[sflag:s24] =	ssyncadd.s32 $0xFFFFFF80  }
0x116: {  	_ =	swait.ge [sflag:s24], $0x80  }
0x117: {  	[sflag:s24] =	ssyncset.done $0x0  }
0x118: {  	[sflag:s24] =	ssyncadd.s32 $0xFFFFFF80  }
0x119: {  	_ =	swait.ge [sflag:s24], $0x80  }
0x11a: {  	[sflag:s24] =	ssyncset.done $0x0  }
0x11b: {  	[sflag:s24] =	ssyncadd.s32 $0xFFFFFF80  }
0x11c: {  	_ =	swait.ge [sflag:s24], $0x80  }
0x11d: {  	[sflag:s24] =	ssyncset.done $0x0  }
0x11e: {  	[sflag:s24] =	ssyncadd.s32 $0xFFFFFF80  }
0x11f: {  	_ =	swait.ge [sflag:s24], $0x80  }
0x120: {  	[sflag:s24] =	ssyncset.done $0x0  }
0x121: {  	[sflag:s24] =	ssyncadd.s32 $0xFFFFFF80  }
0x122: {  	_ =	swait.ge [sflag:s24], $0x80  }
0x123: {  	[sflag:s24] =	ssyncset.done $0x0  }
0x124: {  	[sflag:s24] =	ssyncadd.s32 $0xFFFFFF80  }
0x125: {  	s25 =	sadd.s32 $0x1, s25;
	_ =	swait.ge [sflag:s24], $0x80  }
0x126: {  	p0 =	sne.s32 s25, s6;
	[sflag:s24] =	ssyncset.done $0x0  }
.Ltmp1:
0x127: {  	[sflag:s24] =	ssyncadd.s32 $0xFFFFFF80;
	(pc) =	sbr.rel @p0 .LBB2_1-.Ltmp1, $4  }
0x128: {  	[hbm4b:s5+s2] =	stream.linear.scatter [tilespmem:s8], [sflag:$0x2], $0x10000, $0x38;
	[tilespmem:$0x10200] =	vst v63  }
0x129: {  	_ =	swait.ge [sflag:s7], $0x10000  }
0x12a: {  	[sflag:s7] =	ssyncset.done $0x0  }
0x12b: {  	[sflag:s7] =	ssyncadd.s32 $0xFFFF0000  }
0x12c: {  	_ =	sfence.sel $0x180000  }
0x12d: {  	[bflag:$0x0] =	sbarrier.arrive $0xFFFF  }
0x12e: {  	p0 =	sne.s32 s1, $0x0;
	_ =	strace $0x90000047  }
0x12f: {  	s0 =	sadd.s32 @!p0 $0x100000, s0;
	[bflag:$0x2] =	sbarrier.arrive $0xFFFF  }
0x130: {  	[sflag:s0] =	ssyncadd.tile.s32 @!p0 $0x1;
	_ =	shalt  }
.Lfunc_end2:
_tile_overlayer_lowered:
.L_overlay_start_2:
0x131: {  	(tag) =	ssettag $0x2  }
0x132: {  	s0 =	rddreg [dreg:$0x0];
	s2 =	stileid.u32  }
0x133: {  	s1 =	rddreg [dreg:$0x1];
	p0 =	sne.s32 s2, $0x0  }
0x134: {  	s3 =	rddreg [dreg:$0x2];
	[bflag:$0x3] =	sbarrier.arrive $0xFFFF;
	s2 =	simm.s32 @!p0 $0x1C02  }
0x135: {  	[timem:s3], [sflag:s2] =	dma.local @!p0 [hbm:s0], s1  }
0x136: {  	s0 =	simm.s32 @!p0 $0x2  }
0x137: {  	_ =	swait.ge @!p0 [sflag:s0], s1  }
0x138: {  	s1 =	ssub.s32 @!p0 $0x0, s1;
	[sflag:s0] =	ssyncset.done @!p0 $0x0  }
0x139: {  	[sflag:s0] =	ssyncadd.s32 @!p0 s1  }
0x13a: {  	[bflag:$0x3] =	sbarrier.arrive $0xFFFF  }
0x13b: {  	_ =	shalt  }

</sc_bundles>
